<compile_context>
chip_gen: v7x
topology: tpu7x:2x2x1
jax: 0.10.2.dev20260603
libtpu: 0.0.44.dev20260713+nightly
codegen_flags: <defaults>
</compile_context>

<pallas_src>
import jax
import jax.numpy as jnp
from jax import lax
from jax.experimental import pallas as pl
from jax.experimental.pallas import tpu as pltpu
from jax.experimental.pallas import tpu_sc as plsc

W, H = 1280, 720
N_EV = 2_000_000
IMG = W * H
PLANES = 2 * IMG
PLANES_PAD = PLANES + 128
EV_BLK = 1024
N_BLKS = 64
C_EV = EV_BLK * N_BLKS
N_WORKERS = 32
STRIDE_W = 62496
LAST_START = N_EV - C_EV
ROWS = EV_BLK // 128
STRIPE = PLANES // 16
ZBUF = 5760


def _sc_scatter_planes(ex, ey, ep):
    mesh = plsc.VectorSubcoreMesh(core_axis_name="c", subcore_axis_name="s")

    def body(ex_h, ey_h, ep_h, out0, out1, img, xa, ya, pa, xb, yb, pb,
             idxv, onesv, zbuf):
        pl.run_scoped(
            lambda ld0, ld1, sc0, sc1: _body_inner(
                ex_h, ey_h, ep_h, out0, out1, img, xa, ya, pa, xb, yb, pb,
                idxv, onesv, zbuf, ld0, ld1, sc0, sc1),
            pltpu.SemaphoreType.DMA,
            pltpu.SemaphoreType.DMA,
            pltpu.SemaphoreType.DMA,
            pltpu.SemaphoreType.DMA,
        )

    def _body_inner(ex_h, ey_h, ep_h, out0, out1, img, xa, ya, pa, xb, yb, pb,
                    idxv, onesv, zbuf, ld0, ld1, sc0, sc1):
        c = lax.axis_index("c")
        s = lax.axis_index("s")
        ld = (ld0, ld1)
        sc = (sc0, sc1)
        bufs = ((xa, ya, pa), (xb, yb, pb))

        zeros16 = jnp.zeros((16,), jnp.int32)
        def zfill(i, carry):
            zbuf[pl.ds(i * 16, 16)] = zeros16
            return carry
        lax.fori_loop(0, ZBUF // 16, zfill, 0)
        ones16 = jnp.ones((16,), jnp.int32)
        def ofill(i, carry):
            onesv[pl.ds(i * 16, 16)] = ones16
            return carry
        lax.fori_loop(0, EV_BLK // 16, ofill, 0)

        def issue_loads(off, u):
            xd, yd, pd = bufs[u]
            pltpu.async_copy(ex_h.at[pl.ds(off, EV_BLK)], xd, ld[u])
            pltpu.async_copy(ey_h.at[pl.ds(off, EV_BLK)], yd, ld[u])
            pltpu.async_copy(ep_h.at[pl.ds(off, EV_BLK)], pd, ld[u])

        w = s * 2 + c
        start = jnp.minimum(w * STRIDE_W, LAST_START)
        issue_loads(start, 0)
        issue_loads(start + EV_BLK, 1)

        base = s * STRIPE
        for k in range(20):
            pltpu.async_copy(zbuf, img.at[pl.ds(base + k * ZBUF, ZBUF)], sc0)
        for k in range(20):
            pltpu.make_async_copy(zbuf, img.at[pl.ds(base + k * ZBUF, ZBUF)], sc0).wait()
        plsc.subcore_barrier()

        def wait_loads(off, u):
            xd, yd, pd = bufs[u]
            pltpu.make_async_copy(ex_h.at[pl.ds(off, EV_BLK)], xd, ld[u]).wait()
            pltpu.make_async_copy(ey_h.at[pl.ds(off, EV_BLK)], yd, ld[u]).wait()
            pltpu.make_async_copy(ep_h.at[pl.ds(off, EV_BLK)], pd, ld[u]).wait()

        def drain_scatters(u):
            pltpu.make_async_copy(onesv, img.at[idxv.at[u, 0]], sc[u]).wait()

        def group(g, carry):
            for u in (0, 1):
                b = 2 * g + u
                wait_loads(start + b * EV_BLK, u)
                @pl.when(g >= 1)
                def _():
                    drain_scatters(u)

                xd, yd, pd = bufs[u]

                def row(i, carry2):
                    for u8 in range(8):
                        o = i * 128 + u8 * 16
                        xx = xd[pl.ds(o, 16)]
                        yy = yd[pl.ds(o, 16)]
                        pp = pd[pl.ds(o, 16)]
                        idxv[u, 0, pl.ds(o, 16)] = pp * IMG + xx * H + yy
                    return carry2
                lax.fori_loop(0, ROWS, row, 0)

                pltpu.async_copy(onesv, img.at[idxv.at[u, 0]], sc[u])
                @pl.when(b < N_BLKS - 2)
                def _():
                    issue_loads(start + (b + 2) * EV_BLK, u)
            return carry
        lax.fori_loop(0, N_BLKS // 2, group, 0)
        drain_scatters(0)
        drain_scatters(1)
        plsc.subcore_barrier()

        @pl.when(c == 0)
        def _():
            pltpu.sync_copy(img.at[pl.ds(base, STRIPE)], out0.at[pl.ds(base, STRIPE)])

        @pl.when(c == 1)
        def _():
            pltpu.sync_copy(img.at[pl.ds(base, STRIPE)], out1.at[pl.ds(base, STRIPE)])

    plane_ty = jax.ShapeDtypeStruct((PLANES,), jnp.int32)
    return pl.kernel(
        body,
        out_type=(plane_ty, plane_ty),
        mesh=mesh,
        scratch_types=[
            pltpu.VMEM_SHARED((PLANES_PAD,), jnp.int32),
            pltpu.VMEM((EV_BLK,), jnp.int32),
            pltpu.VMEM((EV_BLK,), jnp.int32),
            pltpu.VMEM((EV_BLK,), jnp.int32),
            pltpu.VMEM((EV_BLK,), jnp.int32),
            pltpu.VMEM((EV_BLK,), jnp.int32),
            pltpu.VMEM((EV_BLK,), jnp.int32),
            pltpu.VMEM((2, 1, EV_BLK), jnp.int32),
            pltpu.VMEM((EV_BLK,), jnp.int32),
            pltpu.VMEM((ZBUF,), jnp.int32),
        ],
    )(ex, ey, ep)


def _combine(p0, p1):
    a = p0.reshape(14400, 128)
    b = p1.reshape(14400, 128)

    def body(a0_ref, a1_ref, b0_ref, b1_ref, out_ref):
        hit0 = (a0_ref[...] != 0) | (b0_ref[...] != 0)
        hit1 = (a1_ref[...] != 0) | (b1_ref[...] != 0)
        val = jnp.where(hit1, 255, jnp.where(hit0, 0, 127))
        out_ref[...] = val.astype(jnp.uint8)

    lo = pl.BlockSpec((720, 128), lambda i: (i, 0))
    hi = pl.BlockSpec((720, 128), lambda i: (i + 10, 0))
    out_blk = pl.BlockSpec((720, 128), lambda i: (i, 0))
    return pl.pallas_call(
        body,
        grid=(10,),
        in_specs=[lo, hi, lo, hi],
        out_specs=out_blk,
        out_shape=jax.ShapeDtypeStruct((7200, 128), jnp.uint8),
    )(a, a, b, b)


def kernel(events_x, events_y, events_polarity):
    p0, p1 = _sc_scatter_planes(events_x, events_y, events_polarity)
    return _combine(p0, p1).reshape(W, H)

# --- scband reference (transcript-rebuilt; emitter-appended) ---
"""Pipeline reference for scband-img-only-onnx-13322988552662 (READ-ONLY COPY).

The authoritative reference and input builder live on the scoring server;
editing this copy changes nothing except your own understanding.
"""

import jax, jax.numpy as jnp
import numpy as np

W, H = 1280, 720  # camera.getEventResolution()
N = 2_000_000

def setup_inputs(seed: int = 0) -> dict:
    key = jax.random.key(seed)
    k1, k2, k3 = jax.random.split(key, 3)
    events_x = jax.random.randint(k1, (N,), 0, W, dtype=jnp.int32)
    events_y = jax.random.randint(k2, (N,), 0, H, dtype=jnp.int32)
    events_polarity = jax.random.randint(k3, (N,), 0, 2, dtype=jnp.int32)
    return {"events_x": events_x, "events_y": events_y, "events_polarity": events_polarity}

def reference(events_x, events_y, events_polarity):
    # pic buffer initialized to 127 (gray), as in __init__
    pic = jnp.full((W, H), 127, dtype=jnp.uint8)
    # Phase 1: polarity == 0 events write 0. Masked-out events are redirected
    # to an out-of-bounds row index and dropped (mode='drop'), which is the
    # jit-safe equivalent of torch boolean-mask indexing.
    x0 = jnp.where(events_polarity == 0, events_x, W)
    pic = pic.at[x0, events_y].set(jnp.uint8(0), mode='drop')
    # Phase 2: polarity == 1 events write 255 (applied second, so pixels hit
    # by both polarities end up 255, matching torch assignment order).
    x1 = jnp.where(events_polarity == 1, events_x, W)
    pic = pic.at[x1, events_y].set(jnp.uint8(255), mode='drop')
    return pic

if __name__ == "__main__":
    import jax
    _d = setup_inputs()
    print(jax.jit(kernel)(*tuple(_d.values())))

</pallas_src>

<mosaic_0001>
#map = affine_map<(d0, d1) -> (0)>
module attributes {stable_mosaic.version = 14 : i64} {
  func.func @body(%arg0: i32, %arg1: i32, %arg2: memref<2000000xi32, #tpu.memory_space<hbm>>, %arg3: memref<2000000xi32, #tpu.memory_space<hbm>>, %arg4: memref<2000000xi32, #tpu.memory_space<hbm>>, %arg5: memref<1843200xi32, #tpu.memory_space<hbm>>, %arg6: memref<1843200xi32, #tpu.memory_space<hbm>>, %arg7: memref<1843328xi32, #tpu.memory_space<vmem_shared>>, %arg8: memref<1024xi32, #tpu.memory_space<vmem>>, %arg9: memref<1024xi32, #tpu.memory_space<vmem>>, %arg10: memref<1024xi32, #tpu.memory_space<vmem>>, %arg11: memref<1024xi32, #tpu.memory_space<vmem>>, %arg12: memref<1024xi32, #tpu.memory_space<vmem>>, %arg13: memref<1024xi32, #tpu.memory_space<vmem>>, %arg14: memref<2x1x1024xi32, #tpu.memory_space<vmem>>, %arg15: memref<1024xi32, #tpu.memory_space<vmem>>, %arg16: memref<5760xi32, #tpu.memory_space<vmem>>) attributes {dimension_semantics = [#tpu.dimension_semantics<core_parallel>, #tpu.dimension_semantics<subcore_parallel>], iteration_bounds = array<i64: 2, 16>, scalar_prefetch = 0 : i64, scratch_operands = 10 : i64, tpu.core_type = #tpu.core_type<sc_vector_subcore>, window_params = [{transform_indices = #map}, {transform_indices = #map}, {transform_indices = #map}, {transform_indices = #map}, {transform_indices = #map}]} {
    "tpu.region"() ({
      %run_scoped3A = tpu.sem_alloc : memref<!tpu.dma_semaphore, #tpu.memory_space<semaphore_mem>>
      %run_scoped3A_0 = tpu.sem_alloc : memref<!tpu.dma_semaphore, #tpu.memory_space<semaphore_mem>>
      %run_scoped3A_1 = tpu.sem_alloc : memref<!tpu.dma_semaphore, #tpu.memory_space<semaphore_mem>>
      %run_scoped3A_2 = tpu.sem_alloc : memref<!tpu.dma_semaphore, #tpu.memory_space<semaphore_mem>>
      %broadcast_in_dim3A = arith.constant 0 : i32
      %broadcast_in_dim3A_3 = vector.broadcast %broadcast_in_dim3A : i32 to vector<16xi32>
      %scan3A = arith.constant 0 : i32
      %scan3A_4 = arith.constant 0 : i32
      %scan3A_5 = arith.constant 360 : i32
      %scan3A_6 = arith.addi %scan3A_4, %scan3A_5 : i32
      %scan3A_7 = arith.constant 1 : i32
      scf.for %scan3A_223 = %scan3A_4 to %scan3A_6 step %scan3A_7  : i32 {
        %mul3A_224 = arith.constant 16 : i32
        %mul3A_225 = arith.muli %scan3A_223, %mul3A_224 : i32
        %swap3A = arith.index_cast %mul3A_225 : i32 to index
        %swap3A_226 = tpu.vector_load %arg16[%swap3A] {strides = array<i32>} : memref<5760xi32, #tpu.memory_space<vmem>>, vector<16xi32>,
        %swap3A_227 = vector.shape_cast %swap3A_226 : vector<16xi32> to vector<16xi32>
        %swap3A_228 = vector.shape_cast %broadcast_in_dim3A_3 : vector<16xi32> to vector<16xi32>
        tpu.vector_store %arg16[%swap3A], %swap3A_228 {strides = array<i32>} : memref<5760xi32, #tpu.memory_space<vmem>>, vector<16xi32>,
      }
      %scan3A_8 = arith.constant 360 : i32
      %broadcast_in_dim3A_9 = arith.constant 1 : i32
      %broadcast_in_dim3A_10 = vector.broadcast %broadcast_in_dim3A_9 : i32 to vector<16xi32>
      %scan3A_11 = arith.constant 0 : i32
      %scan3A_12 = arith.constant 0 : i32
      %scan3A_13 = arith.constant 64 : i32
      %scan3A_14 = arith.addi %scan3A_12, %scan3A_13 : i32
      %scan3A_15 = arith.constant 1 : i32
      scf.for %scan3A_223 = %scan3A_12 to %scan3A_14 step %scan3A_15  : i32 {
        %mul3A_224 = arith.constant 16 : i32
        %mul3A_225 = arith.muli %scan3A_223, %mul3A_224 : i32
        %swap3A = arith.index_cast %mul3A_225 : i32 to index
        %swap3A_226 = tpu.vector_load %arg15[%swap3A] {strides = array<i32>} : memref<1024xi32, #tpu.memory_space<vmem>>, vector<16xi32>,
        %swap3A_227 = vector.shape_cast %swap3A_226 : vector<16xi32> to vector<16xi32>
        %swap3A_228 = vector.shape_cast %broadcast_in_dim3A_10 : vector<16xi32> to vector<16xi32>
        tpu.vector_store %arg15[%swap3A], %swap3A_228 {strides = array<i32>} : memref<1024xi32, #tpu.memory_space<vmem>>, vector<16xi32>,
      }
      %scan3A_16 = arith.constant 64 : i32
      %mul3A = arith.constant 2 : i32
      %mul3A_17 = arith.muli %arg1, %mul3A : i32
      %add3A = arith.addi %mul3A_17, %arg0 : i32
      %mul3A_18 = arith.constant 62496 : i32
      %mul3A_19 = arith.muli %add3A, %mul3A_18 : i32
      %min3A = arith.constant 1934464 : i32
      %min3A_20 = arith.minsi %mul3A_19, %min3A : i32
      %dma_start3A = tpu.memref_slice %arg2[%min3A_20] : memref<2000000xi32, #tpu.memory_space<hbm>> -> memref<1024xi32, #tpu.memory_space<hbm>>
      %dma_start3A_21 = tpu.memref_slice %arg2[%min3A_20] : memref<2000000xi32, #tpu.memory_space<hbm>> -> memref<1024xi32, #tpu.memory_space<hbm>>
      tpu.enqueue_dma source(%dma_start3A_21 : memref<1024xi32, #tpu.memory_space<hbm>>) target(%arg8 : memref<1024xi32, #tpu.memory_space<vmem>>) target_semaphore(%run_scoped3A : memref<!tpu.dma_semaphore, #tpu.memory_space<semaphore_mem>>)
      %dma_start3A_22 = tpu.memref_slice %arg3[%min3A_20] : memref<2000000xi32, #tpu.memory_space<hbm>> -> memref<1024xi32, #tpu.memory_space<hbm>>
      %dma_start3A_23 = tpu.memref_slice %arg3[%min3A_20] : memref<2000000xi32, #tpu.memory_space<hbm>> -> memref<1024xi32, #tpu.memory_space<hbm>>
      tpu.enqueue_dma source(%dma_start3A_23 : memref<1024xi32, #tpu.memory_space<hbm>>) target(%arg9 : memref<1024xi32, #tpu.memory_space<vmem>>) target_semaphore(%run_scoped3A : memref<!tpu.dma_semaphore, #tpu.memory_space<semaphore_mem>>)
      %dma_start3A_24 = tpu.memref_slice %arg4[%min3A_20] : memref<2000000xi32, #tpu.memory_space<hbm>> -> memref<1024xi32, #tpu.memory_space<hbm>>
      %dma_start3A_25 = tpu.memref_slice %arg4[%min3A_20] : memref<2000000xi32, #tpu.memory_space<hbm>> -> memref<1024xi32, #tpu.memory_space<hbm>>
      tpu.enqueue_dma source(%dma_start3A_25 : memref<1024xi32, #tpu.memory_space<hbm>>) target(%arg10 : memref<1024xi32, #tpu.memory_space<vmem>>) target_semaphore(%run_scoped3A : memref<!tpu.dma_semaphore, #tpu.memory_space<semaphore_mem>>)
      %add3A_26 = arith.constant 1024 : i32
      %add3A_27 = arith.addi %min3A_20, %add3A_26 : i32
      %dma_start3A_28 = tpu.memref_slice %arg2[%add3A_27] : memref<2000000xi32, #tpu.memory_space<hbm>> -> memref<1024xi32, #tpu.memory_space<hbm>>
      %dma_start3A_29 = tpu.memref_slice %arg2[%add3A_27] : memref<2000000xi32, #tpu.memory_space<hbm>> -> memref<1024xi32, #tpu.memory_space<hbm>>
      tpu.enqueue_dma source(%dma_start3A_29 : memref<1024xi32, #tpu.memory_space<hbm>>) target(%arg11 : memref<1024xi32, #tpu.memory_space<vmem>>) target_semaphore(%run_scoped3A_0 : memref<!tpu.dma_semaphore, #tpu.memory_space<semaphore_mem>>)
      %dma_start3A_30 = tpu.memref_slice %arg3[%add3A_27] : memref<2000000xi32, #tpu.memory_space<hbm>> -> memref<1024xi32, #tpu.memory_space<hbm>>
      %dma_start3A_31 = tpu.memref_slice %arg3[%add3A_27] : memref<2000000xi32, #tpu.memory_space<hbm>> -> memref<1024xi32, #tpu.memory_space<hbm>>
      tpu.enqueue_dma source(%dma_start3A_31 : memref<1024xi32, #tpu.memory_space<hbm>>) target(%arg12 : memref<1024xi32, #tpu.memory_space<vmem>>) target_semaphore(%run_scoped3A_0 : memref<!tpu.dma_semaphore, #tpu.memory_space<semaphore_mem>>)
      %dma_start3A_32 = tpu.memref_slice %arg4[%add3A_27] : memref<2000000xi32, #tpu.memory_space<hbm>> -> memref<1024xi32, #tpu.memory_space<hbm>>
      %dma_start3A_33 = tpu.memref_slice %arg4[%add3A_27] : memref<2000000xi32, #tpu.memory_space<hbm>> -> memref<1024xi32, #tpu.memory_space<hbm>>
      tpu.enqueue_dma source(%dma_start3A_33 : memref<1024xi32, #tpu.memory_space<hbm>>) target(%arg13 : memref<1024xi32, #tpu.memory_space<vmem>>) target_semaphore(%run_scoped3A_0 : memref<!tpu.dma_semaphore, #tpu.memory_space<semaphore_mem>>)
      %mul3A_34 = arith.constant 115200 : i32
      %mul3A_35 = arith.muli %arg1, %mul3A_34 : i32
      %add3A_36 = arith.constant 0 : i32
      %add3A_37 = arith.addi %mul3A_35, %add3A_36 : i32
      %dma_start3A_38 = tpu.memref_slice %arg7[%add3A_37] : memref<1843328xi32, #tpu.memory_space<vmem_shared>> -> memref<5760xi32, #tpu.memory_space<vmem_shared>>
      %dma_start3A_39 = tpu.memref_slice %arg7[%add3A_37] : memref<1843328xi32, #tpu.memory_space<vmem_shared>> -> memref<5760xi32, #tpu.memory_space<vmem_shared>>
      tpu.enqueue_dma source(%arg16 : memref<5760xi32, #tpu.memory_space<vmem>>) target(%dma_start3A_39 : memref<5760xi32, #tpu.memory_space<vmem_shared>>) target_semaphore(%run_scoped3A_1 : memref<!tpu.dma_semaphore, #tpu.memory_space<semaphore_mem>>)
      %add3A_40 = arith.constant 5760 : i32
      %add3A_41 = arith.addi %mul3A_35, %add3A_40 : i32
      %dma_start3A_42 = tpu.memref_slice %arg7[%add3A_41] : memref<1843328xi32, #tpu.memory_space<vmem_shared>> -> memref<5760xi32, #tpu.memory_space<vmem_shared>>
      %dma_start3A_43 = tpu.memref_slice %arg7[%add3A_41] : memref<1843328xi32, #tpu.memory_space<vmem_shared>> -> memref<5760xi32, #tpu.memory_space<vmem_shared>>
      tpu.enqueue_dma source(%arg16 : memref<5760xi32, #tpu.memory_space<vmem>>) target(%dma_start3A_43 : memref<5760xi32, #tpu.memory_space<vmem_shared>>) target_semaphore(%run_scoped3A_1 : memref<!tpu.dma_semaphore, #tpu.memory_space<semaphore_mem>>)
      %add3A_44 = arith.constant 11520 : i32
      %add3A_45 = arith.addi %mul3A_35, %add3A_44 : i32
      %dma_start3A_46 = tpu.memref_slice %arg7[%add3A_45] : memref<1843328xi32, #tpu.memory_space<vmem_shared>> -> memref<5760xi32, #tpu.memory_space<vmem_shared>>
      %dma_start3A_47 = tpu.memref_slice %arg7[%add3A_45] : memref<1843328xi32, #tpu.memory_space<vmem_shared>> -> memref<5760xi32, #tpu.memory_space<vmem_shared>>
      tpu.enqueue_dma source(%arg16 : memref<5760xi32, #tpu.memory_space<vmem>>) target(%dma_start3A_47 : memref<5760xi32, #tpu.memory_space<vmem_shared>>) target_semaphore(%run_scoped3A_1 : memref<!tpu.dma_semaphore, #tpu.memory_space<semaphore_mem>>)
      %add3A_48 = arith.constant 17280 : i32
      %add3A_49 = arith.addi %mul3A_35, %add3A_48 : i32
      %dma_start3A_50 = tpu.memref_slice %arg7[%add3A_49] : memref<1843328xi32, #tpu.memory_space<vmem_shared>> -> memref<5760xi32, #tpu.memory_space<vmem_shared>>
      %dma_start3A_51 = tpu.memref_slice %arg7[%add3A_49] : memref<1843328xi32, #tpu.memory_space<vmem_shared>> -> memref<5760xi32, #tpu.memory_space<vmem_shared>>
      tpu.enqueue_dma source(%arg16 : memref<5760xi32, #tpu.memory_space<vmem>>) target(%dma_start3A_51 : memref<5760xi32, #tpu.memory_space<vmem_shared>>) target_semaphore(%run_scoped3A_1 : memref<!tpu.dma_semaphore, #tpu.memory_space<semaphore_mem>>)
      %add3A_52 = arith.constant 23040 : i32
      %add3A_53 = arith.addi %mul3A_35, %add3A_52 : i32
      %dma_start3A_54 = tpu.memref_slice %arg7[%add3A_53] : memref<1843328xi32, #tpu.memory_space<vmem_shared>> -> memref<5760xi32, #tpu.memory_space<vmem_shared>>
      %dma_start3A_55 = tpu.memref_slice %arg7[%add3A_53] : memref<1843328xi32, #tpu.memory_space<vmem_shared>> -> memref<5760xi32, #tpu.memory_space<vmem_shared>>
      tpu.enqueue_dma source(%arg16 : memref<5760xi32, #tpu.memory_space<vmem>>) target(%dma_start3A_55 : memref<5760xi32, #tpu.memory_space<vmem_shared>>) target_semaphore(%run_scoped3A_1 : memref<!tpu.dma_semaphore, #tpu.memory_space<semaphore_mem>>)
      %add3A_56 = arith.constant 28800 : i32
      %add3A_57 = arith.addi %mul3A_35, %add3A_56 : i32
      %dma_start3A_58 = tpu.memref_slice %arg7[%add3A_57] : memref<1843328xi32, #tpu.memory_space<vmem_shared>> -> memref<5760xi32, #tpu.memory_space<vmem_shared>>
      %dma_start3A_59 = tpu.memref_slice %arg7[%add3A_57] : memref<1843328xi32, #tpu.memory_space<vmem_shared>> -> memref<5760xi32, #tpu.memory_space<vmem_shared>>
      tpu.enqueue_dma source(%arg16 : memref<5760xi32, #tpu.memory_space<vmem>>) target(%dma_start3A_59 : memref<5760xi32, #tpu.memory_space<vmem_shared>>) target_semaphore(%run_scoped3A_1 : memref<!tpu.dma_semaphore, #tpu.memory_space<semaphore_mem>>)
      %add3A_60 = arith.constant 34560 : i32
      %add3A_61 = arith.addi %mul3A_35, %add3A_60 : i32
      %dma_start3A_62 = tpu.memref_slice %arg7[%add3A_61] : memref<1843328xi32, #tpu.memory_space<vmem_shared>> -> memref<5760xi32, #tpu.memory_space<vmem_shared>>
      %dma_start3A_63 = tpu.memref_slice %arg7[%add3A_61] : memref<1843328xi32, #tpu.memory_space<vmem_shared>> -> memref<5760xi32, #tpu.memory_space<vmem_shared>>
      tpu.enqueue_dma source(%arg16 : memref<5760xi32, #tpu.memory_space<vmem>>) target(%dma_start3A_63 : memref<5760xi32, #tpu.memory_space<vmem_shared>>) target_semaphore(%run_scoped3A_1 : memref<!tpu.dma_semaphore, #tpu.memory_space<semaphore_mem>>)
      %add3A_64 = arith.constant 40320 : i32
      %add3A_65 = arith.addi %mul3A_35, %add3A_64 : i32
      %dma_start3A_66 = tpu.memref_slice %arg7[%add3A_65] : memref<1843328xi32, #tpu.memory_space<vmem_shared>> -> memref<5760xi32, #tpu.memory_space<vmem_shared>>
      %dma_start3A_67 = tpu.memref_slice %arg7[%add3A_65] : memref<1843328xi32, #tpu.memory_space<vmem_shared>> -> memref<5760xi32, #tpu.memory_space<vmem_shared>>
      tpu.enqueue_dma source(%arg16 : memref<5760xi32, #tpu.memory_space<vmem>>) target(%dma_start3A_67 : memref<5760xi32, #tpu.memory_space<vmem_shared>>) target_semaphore(%run_scoped3A_1 : memref<!tpu.dma_semaphore, #tpu.memory_space<semaphore_mem>>)
      %add3A_68 = arith.constant 46080 : i32
      %add3A_69 = arith.addi %mul3A_35, %add3A_68 : i32
      %dma_start3A_70 = tpu.memref_slice %arg7[%add3A_69] : memref<1843328xi32, #tpu.memory_space<vmem_shared>> -> memref<5760xi32, #tpu.memory_space<vmem_shared>>
      %dma_start3A_71 = tpu.memref_slice %arg7[%add3A_69] : memref<1843328xi32, #tpu.memory_space<vmem_shared>> -> memref<5760xi32, #tpu.memory_space<vmem_shared>>
      tpu.enqueue_dma source(%arg16 : memref<5760xi32, #tpu.memory_space<vmem>>) target(%dma_start3A_71 : memref<5760xi32, #tpu.memory_space<vmem_shared>>) target_semaphore(%run_scoped3A_1 : memref<!tpu.dma_semaphore, #tpu.memory_space<semaphore_mem>>)
      %add3A_72 = arith.constant 51840 : i32
      %add3A_73 = arith.addi %mul3A_35, %add3A_72 : i32
      %dma_start3A_74 = tpu.memref_slice %arg7[%add3A_73] : memref<1843328xi32, #tpu.memory_space<vmem_shared>> -> memref<5760xi32, #tpu.memory_space<vmem_shared>>
      %dma_start3A_75 = tpu.memref_slice %arg7[%add3A_73] : memref<1843328xi32, #tpu.memory_space<vmem_shared>> -> memref<5760xi32, #tpu.memory_space<vmem_shared>>
      tpu.enqueue_dma source(%arg16 : memref<5760xi32, #tpu.memory_space<vmem>>) target(%dma_start3A_75 : memref<5760xi32, #tpu.memory_space<vmem_shared>>) target_semaphore(%run_scoped3A_1 : memref<!tpu.dma_semaphore, #tpu.memory_space<semaphore_mem>>)
      %add3A_76 = arith.constant 57600 : i32
      %add3A_77 = arith.addi %mul3A_35, %add3A_76 : i32
      %dma_start3A_78 = tpu.memref_slice %arg7[%add3A_77] : memref<1843328xi32, #tpu.memory_space<vmem_shared>> -> memref<5760xi32, #tpu.memory_space<vmem_shared>>
      %dma_start3A_79 = tpu.memref_slice %arg7[%add3A_77] : memref<1843328xi32, #tpu.memory_space<vmem_shared>> -> memref<5760xi32, #tpu.memory_space<vmem_shared>>
      tpu.enqueue_dma source(%arg16 : memref<5760xi32, #tpu.memory_space<vmem>>) target(%dma_start3A_79 : memref<5760xi32, #tpu.memory_space<vmem_shared>>) target_semaphore(%run_scoped3A_1 : memref<!tpu.dma_semaphore, #tpu.memory_space<semaphore_mem>>)
      %add3A_80 = arith.constant 63360 : i32
      %add3A_81 = arith.addi %mul3A_35, %add3A_80 : i32
      %dma_start3A_82 = tpu.memref_slice %arg7[%add3A_81] : memref<1843328xi32, #tpu.memory_space<vmem_shared>> -> memref<5760xi32, #tpu.memory_space<vmem_shared>>
      %dma_start3A_83 = tpu.memref_slice %arg7[%add3A_81] : memref<1843328xi32, #tpu.memory_space<vmem_shared>> -> memref<5760xi32, #tpu.memory_space<vmem_shared>>
      tpu.enqueue_dma source(%arg16 : memref<5760xi32, #tpu.memory_space<vmem>>) target(%dma_start3A_83 : memref<5760xi32, #tpu.memory_space<vmem_shared>>) target_semaphore(%run_scoped3A_1 : memref<!tpu.dma_semaphore, #tpu.memory_space<semaphore_mem>>)
      %add3A_84 = arith.constant 69120 : i32
      %add3A_85 = arith.addi %mul3A_35, %add3A_84 : i32
      %dma_start3A_86 = tpu.memref_slice %arg7[%add3A_85] : memref<1843328xi32, #tpu.memory_space<vmem_shared>> -> memref<5760xi32, #tpu.memory_space<vmem_shared>>
      %dma_start3A_87 = tpu.memref_slice %arg7[%add3A_85] : memref<1843328xi32, #tpu.memory_space<vmem_shared>> -> memref<5760xi32, #tpu.memory_space<vmem_shared>>
      tpu.enqueue_dma source(%arg16 : memref<5760xi32, #tpu.memory_space<vmem>>) target(%dma_start3A_87 : memref<5760xi32, #tpu.memory_space<vmem_shared>>) target_semaphore(%run_scoped3A_1 : memref<!tpu.dma_semaphore, #tpu.memory_space<semaphore_mem>>)
      %add3A_88 = arith.constant 74880 : i32
      %add3A_89 = arith.addi %mul3A_35, %add3A_88 : i32
      %dma_start3A_90 = tpu.memref_slice %arg7[%add3A_89] : memref<1843328xi32, #tpu.memory_space<vmem_shared>> -> memref<5760xi32, #tpu.memory_space<vmem_shared>>
      %dma_start3A_91 = tpu.memref_slice %arg7[%add3A_89] : memref<1843328xi32, #tpu.memory_space<vmem_shared>> -> memref<5760xi32, #tpu.memory_space<vmem_shared>>
      tpu.enqueue_dma source(%arg16 : memref<5760xi32, #tpu.memory_space<vmem>>) target(%dma_start3A_91 : memref<5760xi32, #tpu.memory_space<vmem_shared>>) target_semaphore(%run_scoped3A_1 : memref<!tpu.dma_semaphore, #tpu.memory_space<semaphore_mem>>)
      %add3A_92 = arith.constant 80640 : i32
      %add3A_93 = arith.addi %mul3A_35, %add3A_92 : i32
      %dma_start3A_94 = tpu.memref_slice %arg7[%add3A_93] : memref<1843328xi32, #tpu.memory_space<vmem_shared>> -> memref<5760xi32, #tpu.memory_space<vmem_shared>>
      %dma_start3A_95 = tpu.memref_slice %arg7[%add3A_93] : memref<1843328xi32, #tpu.memory_space<vmem_shared>> -> memref<5760xi32, #tpu.memory_space<vmem_shared>>
      tpu.enqueue_dma source(%arg16 : memref<5760xi32, #tpu.memory_space<vmem>>) target(%dma_start3A_95 : memref<5760xi32, #tpu.memory_space<vmem_shared>>) target_semaphore(%run_scoped3A_1 : memref<!tpu.dma_semaphore, #tpu.memory_space<semaphore_mem>>)
      %add3A_96 = arith.constant 86400 : i32
      %add3A_97 = arith.addi %mul3A_35, %add3A_96 : i32
      %dma_start3A_98 = tpu.memref_slice %arg7[%add3A_97] : memref<1843328xi32, #tpu.memory_space<vmem_shared>> -> memref<5760xi32, #tpu.memory_space<vmem_shared>>
      %dma_start3A_99 = tpu.memref_slice %arg7[%add3A_97] : memref<1843328xi32, #tpu.memory_space<vmem_shared>> -> memref<5760xi32, #tpu.memory_space<vmem_shared>>
      tpu.enqueue_dma source(%arg16 : memref<5760xi32, #tpu.memory_space<vmem>>) target(%dma_start3A_99 : memref<5760xi32, #tpu.memory_space<vmem_shared>>) target_semaphore(%run_scoped3A_1 : memref<!tpu.dma_semaphore, #tpu.memory_space<semaphore_mem>>)
      %add3A_100 = arith.constant 92160 : i32
      %add3A_101 = arith.addi %mul3A_35, %add3A_100 : i32
      %dma_start3A_102 = tpu.memref_slice %arg7[%add3A_101] : memref<1843328xi32, #tpu.memory_space<vmem_shared>> -> memref<5760xi32, #tpu.memory_space<vmem_shared>>
      %dma_start3A_103 = tpu.memref_slice %arg7[%add3A_101] : memref<1843328xi32, #tpu.memory_space<vmem_shared>> -> memref<5760xi32, #tpu.memory_space<vmem_shared>>
      tpu.enqueue_dma source(%arg16 : memref<5760xi32, #tpu.memory_space<vmem>>) target(%dma_start3A_103 : memref<5760xi32, #tpu.memory_space<vmem_shared>>) target_semaphore(%run_scoped3A_1 : memref<!tpu.dma_semaphore, #tpu.memory_space<semaphore_mem>>)
      %add3A_104 = arith.constant 97920 : i32
      %add3A_105 = arith.addi %mul3A_35, %add3A_104 : i32
      %dma_start3A_106 = tpu.memref_slice %arg7[%add3A_105] : memref<1843328xi32, #tpu.memory_space<vmem_shared>> -> memref<5760xi32, #tpu.memory_space<vmem_shared>>
      %dma_start3A_107 = tpu.memref_slice %arg7[%add3A_105] : memref<1843328xi32, #tpu.memory_space<vmem_shared>> -> memref<5760xi32, #tpu.memory_space<vmem_shared>>
      tpu.enqueue_dma source(%arg16 : memref<5760xi32, #tpu.memory_space<vmem>>) target(%dma_start3A_107 : memref<5760xi32, #tpu.memory_space<vmem_shared>>) target_semaphore(%run_scoped3A_1 : memref<!tpu.dma_semaphore, #tpu.memory_space<semaphore_mem>>)
      %add3A_108 = arith.constant 103680 : i32
      %add3A_109 = arith.addi %mul3A_35, %add3A_108 : i32
      %dma_start3A_110 = tpu.memref_slice %arg7[%add3A_109] : memref<1843328xi32, #tpu.memory_space<vmem_shared>> -> memref<5760xi32, #tpu.memory_space<vmem_shared>>
      %dma_start3A_111 = tpu.memref_slice %arg7[%add3A_109] : memref<1843328xi32, #tpu.memory_space<vmem_shared>> -> memref<5760xi32, #tpu.memory_space<vmem_shared>>
      tpu.enqueue_dma source(%arg16 : memref<5760xi32, #tpu.memory_space<vmem>>) target(%dma_start3A_111 : memref<5760xi32, #tpu.memory_space<vmem_shared>>) target_semaphore(%run_scoped3A_1 : memref<!tpu.dma_semaphore, #tpu.memory_space<semaphore_mem>>)
      %add3A_112 = arith.constant 109440 : i32
      %add3A_113 = arith.addi %mul3A_35, %add3A_112 : i32
      %dma_start3A_114 = tpu.memref_slice %arg7[%add3A_113] : memref<1843328xi32, #tpu.memory_space<vmem_shared>> -> memref<5760xi32, #tpu.memory_space<vmem_shared>>
      %dma_start3A_115 = tpu.memref_slice %arg7[%add3A_113] : memref<1843328xi32, #tpu.memory_space<vmem_shared>> -> memref<5760xi32, #tpu.memory_space<vmem_shared>>
      tpu.enqueue_dma source(%arg16 : memref<5760xi32, #tpu.memory_space<vmem>>) target(%dma_start3A_115 : memref<5760xi32, #tpu.memory_space<vmem_shared>>) target_semaphore(%run_scoped3A_1 : memref<!tpu.dma_semaphore, #tpu.memory_space<semaphore_mem>>)
      %add3A_116 = arith.constant 0 : i32
      %add3A_117 = arith.addi %mul3A_35, %add3A_116 : i32
      %dma_wait3A = tpu.memref_slice %arg7[%add3A_117] : memref<1843328xi32, #tpu.memory_space<vmem_shared>> -> memref<5760xi32, #tpu.memory_space<vmem_shared>>
      %dma_wait3A_118 = tpu.memref_slice %arg7[%add3A_117] : memref<1843328xi32, #tpu.memory_space<vmem_shared>> -> memref<5760xi32, #tpu.memory_space<vmem_shared>>
      tpu.wait_dma2 semaphore(%run_scoped3A_1 : memref<!tpu.dma_semaphore, #tpu.memory_space<semaphore_mem>>) src(%arg16 : memref<5760xi32, #tpu.memory_space<vmem>>) dst(%dma_wait3A_118 : memref<5760xi32, #tpu.memory_space<vmem_shared>>)
      %add3A_119 = arith.constant 5760 : i32
      %add3A_120 = arith.addi %mul3A_35, %add3A_119 : i32
      %dma_wait3A_121 = tpu.memref_slice %arg7[%add3A_120] : memref<1843328xi32, #tpu.memory_space<vmem_shared>> -> memref<5760xi32, #tpu.memory_space<vmem_shared>>
      %dma_wait3A_122 = tpu.memref_slice %arg7[%add3A_120] : memref<1843328xi32, #tpu.memory_space<vmem_shared>> -> memref<5760xi32, #tpu.memory_space<vmem_shared>>
      tpu.wait_dma2 semaphore(%run_scoped3A_1 : memref<!tpu.dma_semaphore, #tpu.memory_space<semaphore_mem>>) src(%arg16 : memref<5760xi32, #tpu.memory_space<vmem>>) dst(%dma_wait3A_122 : memref<5760xi32, #tpu.memory_space<vmem_shared>>)
      %add3A_123 = arith.constant 11520 : i32
      %add3A_124 = arith.addi %mul3A_35, %add3A_123 : i32
      %dma_wait3A_125 = tpu.memref_slice %arg7[%add3A_124] : memref<1843328xi32, #tpu.memory_space<vmem_shared>> -> memref<5760xi32, #tpu.memory_space<vmem_shared>>
      %dma_wait3A_126 = tpu.memref_slice %arg7[%add3A_124] : memref<1843328xi32, #tpu.memory_space<vmem_shared>> -> memref<5760xi32, #tpu.memory_space<vmem_shared>>
      tpu.wait_dma2 semaphore(%run_scoped3A_1 : memref<!tpu.dma_semaphore, #tpu.memory_space<semaphore_mem>>) src(%arg16 : memref<5760xi32, #tpu.memory_space<vmem>>) dst(%dma_wait3A_126 : memref<5760xi32, #tpu.memory_space<vmem_shared>>)
      %add3A_127 = arith.constant 17280 : i32
      %add3A_128 = arith.addi %mul3A_35, %add3A_127 : i32
      %dma_wait3A_129 = tpu.memref_slice %arg7[%add3A_128] : memref<1843328xi32, #tpu.memory_space<vmem_shared>> -> memref<5760xi32, #tpu.memory_space<vmem_shared>>
      %dma_wait3A_130 = tpu.memref_slice %arg7[%add3A_128] : memref<1843328xi32, #tpu.memory_space<vmem_shared>> -> memref<5760xi32, #tpu.memory_space<vmem_shared>>
      tpu.wait_dma2 semaphore(%run_scoped3A_1 : memref<!tpu.dma_semaphore, #tpu.memory_space<semaphore_mem>>) src(%arg16 : memref<5760xi32, #tpu.memory_space<vmem>>) dst(%dma_wait3A_130 : memref<5760xi32, #tpu.memory_space<vmem_shared>>)
      %add3A_131 = arith.constant 23040 : i32
      %add3A_132 = arith.addi %mul3A_35, %add3A_131 : i32
      %dma_wait3A_133 = tpu.memref_slice %arg7[%add3A_132] : memref<1843328xi32, #tpu.memory_space<vmem_shared>> -> memref<5760xi32, #tpu.memory_space<vmem_shared>>
      %dma_wait3A_134 = tpu.memref_slice %arg7[%add3A_132] : memref<1843328xi32, #tpu.memory_space<vmem_shared>> -> memref<5760xi32, #tpu.memory_space<vmem_shared>>
      tpu.wait_dma2 semaphore(%run_scoped3A_1 : memref<!tpu.dma_semaphore, #tpu.memory_space<semaphore_mem>>) src(%arg16 : memref<5760xi32, #tpu.memory_space<vmem>>) dst(%dma_wait3A_134 : memref<5760xi32, #tpu.memory_space<vmem_shared>>)
      %add3A_135 = arith.constant 28800 : i32
      %add3A_136 = arith.addi %mul3A_35, %add3A_135 : i32
      %dma_wait3A_137 = tpu.memref_slice %arg7[%add3A_136] : memref<1843328xi32, #tpu.memory_space<vmem_shared>> -> memref<5760xi32, #tpu.memory_space<vmem_shared>>
      %dma_wait3A_138 = tpu.memref_slice %arg7[%add3A_136] : memref<1843328xi32, #tpu.memory_space<vmem_shared>> -> memref<5760xi32, #tpu.memory_space<vmem_shared>>
      tpu.wait_dma2 semaphore(%run_scoped3A_1 : memref<!tpu.dma_semaphore, #tpu.memory_space<semaphore_mem>>) src(%arg16 : memref<5760xi32, #tpu.memory_space<vmem>>) dst(%dma_wait3A_138 : memref<5760xi32, #tpu.memory_space<vmem_shared>>)
      %add3A_139 = arith.constant 34560 : i32
      %add3A_140 = arith.addi %mul3A_35, %add3A_139 : i32
      %dma_wait3A_141 = tpu.memref_slice %arg7[%add3A_140] : memref<1843328xi32, #tpu.memory_space<vmem_shared>> -> memref<5760xi32, #tpu.memory_space<vmem_shared>>
      %dma_wait3A_142 = tpu.memref_slice %arg7[%add3A_140] : memref<1843328xi32, #tpu.memory_space<vmem_shared>> -> memref<5760xi32, #tpu.memory_space<vmem_shared>>
      tpu.wait_dma2 semaphore(%run_scoped3A_1 : memref<!tpu.dma_semaphore, #tpu.memory_space<semaphore_mem>>) src(%arg16 : memref<5760xi32, #tpu.memory_space<vmem>>) dst(%dma_wait3A_142 : memref<5760xi32, #tpu.memory_space<vmem_shared>>)
      %add3A_143 = arith.constant 40320 : i32
      %add3A_144 = arith.addi %mul3A_35, %add3A_143 : i32
      %dma_wait3A_145 = tpu.memref_slice %arg7[%add3A_144] : memref<1843328xi32, #tpu.memory_space<vmem_shared>> -> memref<5760xi32, #tpu.memory_space<vmem_shared>>
      %dma_wait3A_146 = tpu.memref_slice %arg7[%add3A_144] : memref<1843328xi32, #tpu.memory_space<vmem_shared>> -> memref<5760xi32, #tpu.memory_space<vmem_shared>>
      tpu.wait_dma2 semaphore(%run_scoped3A_1 : memref<!tpu.dma_semaphore, #tpu.memory_space<semaphore_mem>>) src(%arg16 : memref<5760xi32, #tpu.memory_space<vmem>>) dst(%dma_wait3A_146 : memref<5760xi32, #tpu.memory_space<vmem_shared>>)
      %add3A_147 = arith.constant 46080 : i32
      %add3A_148 = arith.addi %mul3A_35, %add3A_147 : i32
      %dma_wait3A_149 = tpu.memref_slice %arg7[%add3A_148] : memref<1843328xi32, #tpu.memory_space<vmem_shared>> -> memref<5760xi32, #tpu.memory_space<vmem_shared>>
      %dma_wait3A_150 = tpu.memref_slice %arg7[%add3A_148] : memref<1843328xi32, #tpu.memory_space<vmem_shared>> -> memref<5760xi32, #tpu.memory_space<vmem_shared>>
      tpu.wait_dma2 semaphore(%run_scoped3A_1 : memref<!tpu.dma_semaphore, #tpu.memory_space<semaphore_mem>>) src(%arg16 : memref<5760xi32, #tpu.memory_space<vmem>>) dst(%dma_wait3A_150 : memref<5760xi32, #tpu.memory_space<vmem_shared>>)
      %add3A_151 = arith.constant 51840 : i32
      %add3A_152 = arith.addi %mul3A_35, %add3A_151 : i32
      %dma_wait3A_153 = tpu.memref_slice %arg7[%add3A_152] : memref<1843328xi32, #tpu.memory_space<vmem_shared>> -> memref<5760xi32, #tpu.memory_space<vmem_shared>>
      %dma_wait3A_154 = tpu.memref_slice %arg7[%add3A_152] : memref<1843328xi32, #tpu.memory_space<vmem_shared>> -> memref<5760xi32, #tpu.memory_space<vmem_shared>>
      tpu.wait_dma2 semaphore(%run_scoped3A_1 : memref<!tpu.dma_semaphore, #tpu.memory_space<semaphore_mem>>) src(%arg16 : memref<5760xi32, #tpu.memory_space<vmem>>) dst(%dma_wait3A_154 : memref<5760xi32, #tpu.memory_space<vmem_shared>>)
      %add3A_155 = arith.constant 57600 : i32
      %add3A_156 = arith.addi %mul3A_35, %add3A_155 : i32
      %dma_wait3A_157 = tpu.memref_slice %arg7[%add3A_156] : memref<1843328xi32, #tpu.memory_space<vmem_shared>> -> memref<5760xi32, #tpu.memory_space<vmem_shared>>
      %dma_wait3A_158 = tpu.memref_slice %arg7[%add3A_156] : memref<1843328xi32, #tpu.memory_space<vmem_shared>> -> memref<5760xi32, #tpu.memory_space<vmem_shared>>
      tpu.wait_dma2 semaphore(%run_scoped3A_1 : memref<!tpu.dma_semaphore, #tpu.memory_space<semaphore_mem>>) src(%arg16 : memref<5760xi32, #tpu.memory_space<vmem>>) dst(%dma_wait3A_158 : memref<5760xi32, #tpu.memory_space<vmem_shared>>)
      %add3A_159 = arith.constant 63360 : i32
      %add3A_160 = arith.addi %mul3A_35, %add3A_159 : i32
      %dma_wait3A_161 = tpu.memref_slice %arg7[%add3A_160] : memref<1843328xi32, #tpu.memory_space<vmem_shared>> -> memref<5760xi32, #tpu.memory_space<vmem_shared>>
      %dma_wait3A_162 = tpu.memref_slice %arg7[%add3A_160] : memref<1843328xi32, #tpu.memory_space<vmem_shared>> -> memref<5760xi32, #tpu.memory_space<vmem_shared>>
      tpu.wait_dma2 semaphore(%run_scoped3A_1 : memref<!tpu.dma_semaphore, #tpu.memory_space<semaphore_mem>>) src(%arg16 : memref<5760xi32, #tpu.memory_space<vmem>>) dst(%dma_wait3A_162 : memref<5760xi32, #tpu.memory_space<vmem_shared>>)
      %add3A_163 = arith.constant 69120 : i32
      %add3A_164 = arith.addi %mul3A_35, %add3A_163 : i32
      %dma_wait3A_165 = tpu.memref_slice %arg7[%add3A_164] : memref<1843328xi32, #tpu.memory_space<vmem_shared>> -> memref<5760xi32, #tpu.memory_space<vmem_shared>>
      %dma_wait3A_166 = tpu.memref_slice %arg7[%add3A_164] : memref<1843328xi32, #tpu.memory_space<vmem_shared>> -> memref<5760xi32, #tpu.memory_space<vmem_shared>>
      tpu.wait_dma2 semaphore(%run_scoped3A_1 : memref<!tpu.dma_semaphore, #tpu.memory_space<semaphore_mem>>) src(%arg16 : memref<5760xi32, #tpu.memory_space<vmem>>) dst(%dma_wait3A_166 : memref<5760xi32, #tpu.memory_space<vmem_shared>>)
      %add3A_167 = arith.constant 74880 : i32
      %add3A_168 = arith.addi %mul3A_35, %add3A_167 : i32
      %dma_wait3A_169 = tpu.memref_slice %arg7[%add3A_168] : memref<1843328xi32, #tpu.memory_space<vmem_shared>> -> memref<5760xi32, #tpu.memory_space<vmem_shared>>
      %dma_wait3A_170 = tpu.memref_slice %arg7[%add3A_168] : memref<1843328xi32, #tpu.memory_space<vmem_shared>> -> memref<5760xi32, #tpu.memory_space<vmem_shared>>
      tpu.wait_dma2 semaphore(%run_scoped3A_1 : memref<!tpu.dma_semaphore, #tpu.memory_space<semaphore_mem>>) src(%arg16 : memref<5760xi32, #tpu.memory_space<vmem>>) dst(%dma_wait3A_170 : memref<5760xi32, #tpu.memory_space<vmem_shared>>)
      %add3A_171 = arith.constant 80640 : i32
      %add3A_172 = arith.addi %mul3A_35, %add3A_171 : i32
      %dma_wait3A_173 = tpu.memref_slice %arg7[%add3A_172] : memref<1843328xi32, #tpu.memory_space<vmem_shared>> -> memref<5760xi32, #tpu.memory_space<vmem_shared>>
      %dma_wait3A_174 = tpu.memref_slice %arg7[%add3A_172] : memref<1843328xi32, #tpu.memory_space<vmem_shared>> -> memref<5760xi32, #tpu.memory_space<vmem_shared>>
      tpu.wait_dma2 semaphore(%run_scoped3A_1 : memref<!tpu.dma_semaphore, #tpu.memory_space<semaphore_mem>>) src(%arg16 : memref<5760xi32, #tpu.memory_space<vmem>>) dst(%dma_wait3A_174 : memref<5760xi32, #tpu.memory_space<vmem_shared>>)
      %add3A_175 = arith.constant 86400 : i32
      %add3A_176 = arith.addi %mul3A_35, %add3A_175 : i32
      %dma_wait3A_177 = tpu.memref_slice %arg7[%add3A_176] : memref<1843328xi32, #tpu.memory_space<vmem_shared>> -> memref<5760xi32, #tpu.memory_space<vmem_shared>>
      %dma_wait3A_178 = tpu.memref_slice %arg7[%add3A_176] : memref<1843328xi32, #tpu.memory_space<vmem_shared>> -> memref<5760xi32, #tpu.memory_space<vmem_shared>>
      tpu.wait_dma2 semaphore(%run_scoped3A_1 : memref<!tpu.dma_semaphore, #tpu.memory_space<semaphore_mem>>) src(%arg16 : memref<5760xi32, #tpu.memory_space<vmem>>) dst(%dma_wait3A_178 : memref<5760xi32, #tpu.memory_space<vmem_shared>>)
      %add3A_179 = arith.constant 92160 : i32
      %add3A_180 = arith.addi %mul3A_35, %add3A_179 : i32
      %dma_wait3A_181 = tpu.memref_slice %arg7[%add3A_180] : memref<1843328xi32, #tpu.memory_space<vmem_shared>> -> memref<5760xi32, #tpu.memory_space<vmem_shared>>
      %dma_wait3A_182 = tpu.memref_slice %arg7[%add3A_180] : memref<1843328xi32, #tpu.memory_space<vmem_shared>> -> memref<5760xi32, #tpu.memory_space<vmem_shared>>
      tpu.wait_dma2 semaphore(%run_scoped3A_1 : memref<!tpu.dma_semaphore, #tpu.memory_space<semaphore_mem>>) src(%arg16 : memref<5760xi32, #tpu.memory_space<vmem>>) dst(%dma_wait3A_182 : memref<5760xi32, #tpu.memory_space<vmem_shared>>)
      %add3A_183 = arith.constant 97920 : i32
      %add3A_184 = arith.addi %mul3A_35, %add3A_183 : i32
      %dma_wait3A_185 = tpu.memref_slice %arg7[%add3A_184] : memref<1843328xi32, #tpu.memory_space<vmem_shared>> -> memref<5760xi32, #tpu.memory_space<vmem_shared>>
      %dma_wait3A_186 = tpu.memref_slice %arg7[%add3A_184] : memref<1843328xi32, #tpu.memory_space<vmem_shared>> -> memref<5760xi32, #tpu.memory_space<vmem_shared>>
      tpu.wait_dma2 semaphore(%run_scoped3A_1 : memref<!tpu.dma_semaphore, #tpu.memory_space<semaphore_mem>>) src(%arg16 : memref<5760xi32, #tpu.memory_space<vmem>>) dst(%dma_wait3A_186 : memref<5760xi32, #tpu.memory_space<vmem_shared>>)
      %add3A_187 = arith.constant 103680 : i32
      %add3A_188 = arith.addi %mul3A_35, %add3A_187 : i32
      %dma_wait3A_189 = tpu.memref_slice %arg7[%add3A_188] : memref<1843328xi32, #tpu.memory_space<vmem_shared>> -> memref<5760xi32, #tpu.memory_space<vmem_shared>>
      %dma_wait3A_190 = tpu.memref_slice %arg7[%add3A_188] : memref<1843328xi32, #tpu.memory_space<vmem_shared>> -> memref<5760xi32, #tpu.memory_space<vmem_shared>>
      tpu.wait_dma2 semaphore(%run_scoped3A_1 : memref<!tpu.dma_semaphore, #tpu.memory_space<semaphore_mem>>) src(%arg16 : memref<5760xi32, #tpu.memory_space<vmem>>) dst(%dma_wait3A_190 : memref<5760xi32, #tpu.memory_space<vmem_shared>>)
      %add3A_191 = arith.constant 109440 : i32
      %add3A_192 = arith.addi %mul3A_35, %add3A_191 : i32
      %dma_wait3A_193 = tpu.memref_slice %arg7[%add3A_192] : memref<1843328xi32, #tpu.memory_space<vmem_shared>> -> memref<5760xi32, #tpu.memory_space<vmem_shared>>
      %dma_wait3A_194 = tpu.memref_slice %arg7[%add3A_192] : memref<1843328xi32, #tpu.memory_space<vmem_shared>> -> memref<5760xi32, #tpu.memory_space<vmem_shared>>
      tpu.wait_dma2 semaphore(%run_scoped3A_1 : memref<!tpu.dma_semaphore, #tpu.memory_space<semaphore_mem>>) src(%arg16 : memref<5760xi32, #tpu.memory_space<vmem>>) dst(%dma_wait3A_194 : memref<5760xi32, #tpu.memory_space<vmem_shared>>)
      %barrier3A = arith.constant 0 : index
      tpu.barrier barrier_id(%barrier3A)
      %scan3A_195 = arith.constant 0 : i32
      %scan3A_196 = arith.constant 0 : i32
      %scan3A_197 = arith.constant 32 : i32
      %scan3A_198 = arith.addi %scan3A_196, %scan3A_197 : i32
      %scan3A_199 = arith.constant 1 : i32
      scf.for %scan3A_223 = %scan3A_196 to %scan3A_198 step %scan3A_199  : i32 {
        %mul3A_224 = arith.constant 2 : i32
        %mul3A_225 = arith.muli %mul3A_224, %scan3A_223 : i32
        %add3A_226 = arith.constant 0 : i32
        %add3A_227 = arith.addi %mul3A_225, %add3A_226 : i32
        %mul3A_228 = arith.constant 1024 : i32
        %mul3A_229 = arith.muli %add3A_227, %mul3A_228 : i32
        %add3A_230 = arith.addi %min3A_20, %mul3A_229 : i32
        %dma_wait3A_231 = tpu.memref_slice %arg2[%add3A_230] : memref<2000000xi32, #tpu.memory_space<hbm>> -> memref<1024xi32, #tpu.memory_space<hbm>>
        %dma_wait3A_232 = tpu.memref_slice %arg2[%add3A_230] : memref<2000000xi32, #tpu.memory_space<hbm>> -> memref<1024xi32, #tpu.memory_space<hbm>>
        tpu.wait_dma2 semaphore(%run_scoped3A : memref<!tpu.dma_semaphore, #tpu.memory_space<semaphore_mem>>) src(%dma_wait3A_232 : memref<1024xi32, #tpu.memory_space<hbm>>) dst(%arg8 : memref<1024xi32, #tpu.memory_space<vmem>>)
        %dma_wait3A_233 = tpu.memref_slice %arg3[%add3A_230] : memref<2000000xi32, #tpu.memory_space<hbm>> -> memref<1024xi32, #tpu.memory_space<hbm>>
        %dma_wait3A_234 = tpu.memref_slice %arg3[%add3A_230] : memref<2000000xi32, #tpu.memory_space<hbm>> -> memref<1024xi32, #tpu.memory_space<hbm>>
        tpu.wait_dma2 semaphore(%run_scoped3A : memref<!tpu.dma_semaphore, #tpu.memory_space<semaphore_mem>>) src(%dma_wait3A_234 : memref<1024xi32, #tpu.memory_space<hbm>>) dst(%arg9 : memref<1024xi32, #tpu.memory_space<vmem>>)
        %dma_wait3A_235 = tpu.memref_slice %arg4[%add3A_230] : memref<2000000xi32, #tpu.memory_space<hbm>> -> memref<1024xi32, #tpu.memory_space<hbm>>
        %dma_wait3A_236 = tpu.memref_slice %arg4[%add3A_230] : memref<2000000xi32, #tpu.memory_space<hbm>> -> memref<1024xi32, #tpu.memory_space<hbm>>
        tpu.wait_dma2 semaphore(%run_scoped3A : memref<!tpu.dma_semaphore, #tpu.memory_space<semaphore_mem>>) src(%dma_wait3A_236 : memref<1024xi32, #tpu.memory_space<hbm>>) dst(%arg10 : memref<1024xi32, #tpu.memory_space<vmem>>)
        %ge3A = arith.constant 1 : i32
        %ge3A_237 = arith.cmpi sge, %scan3A_223, %ge3A : i32
        %convert_element_type3A_238 = arith.extui %ge3A_237 : i1 to i32
        %cond3A_239 = arith.constant 0 : i32
        %cond3A_240 = arith.cmpi ne, %convert_element_type3A_238, %cond3A_239 : i32
        scf.if %cond3A_240 {
          %dma_wait3A_294 = arith.constant 0 : i32
          %dma_wait3A_295 = arith.constant 0 : i32
          %dma_wait3A_296 = arith.constant 0 : i32
          %dma_wait3A_297 = tpu.memref_slice %arg14[%dma_wait3A_294, %dma_wait3A_295, %dma_wait3A_296] : memref<2x1x1024xi32, #tpu.memory_space<vmem>> -> memref<1x1x1024xi32, #tpu.memory_space<vmem>>
          %dma_wait3A_298 = tpu.memref_squeeze %dma_wait3A_297 : memref<1x1x1024xi32, #tpu.memory_space<vmem>> -> memref<1024xi32, #tpu.memory_space<vmem>>
          %dma_wait3A_299 = arith.constant 0 : i32
          %dma_wait3A_300 = tpu.memref_slice %arg7[%dma_wait3A_299] : memref<1843328xi32, #tpu.memory_space<vmem_shared>> -> memref<1843328xi32, #tpu.memory_space<vmem_shared>>
          tpu.wait_indirect_dma semaphore(%run_scoped3A_1 : memref<!tpu.dma_semaphore, #tpu.memory_space<semaphore_mem>>) src(%arg15 : memref<1024xi32, #tpu.memory_space<vmem>>) dst(%dma_wait3A_300 : memref<1843328xi32, #tpu.memory_space<vmem_shared>>)
        } else {
        }
        %scan3A_241 = arith.constant 0 : i32
        %scan3A_242 = arith.constant 0 : i32
        %scan3A_243 = arith.constant 8 : i32
        %scan3A_244 = arith.addi %scan3A_242, %scan3A_243 : i32
        %scan3A_245 = arith.constant 1 : i32
        scf.for %scan3A_294 = %scan3A_242 to %scan3A_244 step %scan3A_245  : i32 {
          %mul3A_295 = arith.constant 128 : i32
          %mul3A_296 = arith.muli %scan3A_294, %mul3A_295 : i32
          %add3A_297 = arith.constant 0 : i32
          %add3A_298 = arith.addi %mul3A_296, %add3A_297 : i32
          %get3A = arith.index_cast %add3A_298 : i32 to index
          %get3A_299 = tpu.vector_load %arg8[%get3A] {strides = array<i32>} : memref<1024xi32, #tpu.memory_space<vmem>>, vector<16xi32>,
          %get3A_300 = vector.shape_cast %get3A_299 : vector<16xi32> to vector<16xi32>
          %get3A_301 = arith.index_cast %add3A_298 : i32 to index
          %get3A_302 = tpu.vector_load %arg9[%get3A_301] {strides = array<i32>} : memref<1024xi32, #tpu.memory_space<vmem>>, vector<16xi32>,
          %get3A_303 = vector.shape_cast %get3A_302 : vector<16xi32> to vector<16xi32>
          %get3A_304 = arith.index_cast %add3A_298 : i32 to index
          %get3A_305 = tpu.vector_load %arg10[%get3A_304] {strides = array<i32>} : memref<1024xi32, #tpu.memory_space<vmem>>, vector<16xi32>,
          %get3A_306 = vector.shape_cast %get3A_305 : vector<16xi32> to vector<16xi32>
          %mul3A_307 = arith.constant 921600 : i32
          %mul3A_308 = vector.broadcast %mul3A_307 : i32 to vector<16xi32>
          %mul3A_309 = arith.muli %get3A_306, %mul3A_308 : vector<16xi32>
          %mul3A_310 = arith.constant 720 : i32
          %mul3A_311 = vector.broadcast %mul3A_310 : i32 to vector<16xi32>
          %mul3A_312 = arith.muli %get3A_300, %mul3A_311 : vector<16xi32>
          %add3A_313 = arith.addi %mul3A_309, %mul3A_312 : vector<16xi32>
          %add3A_314 = arith.addi %add3A_313, %get3A_303 : vector<16xi32>
          %swap3A = arith.constant 0 : i32
          %swap3A_315 = arith.constant 0 : i32
          %swap3A_316 = arith.index_cast %swap3A : i32 to index
          %swap3A_317 = arith.index_cast %swap3A_315 : i32 to index
          %swap3A_318 = arith.index_cast %add3A_298 : i32 to index
          %swap3A_319 = tpu.vector_load %arg14[%swap3A_316, %swap3A_317, %swap3A_318] {strides = array<i32>} : memref<2x1x1024xi32, #tpu.memory_space<vmem>>, vector<1x1x16xi32>,
          %swap3A_320 = vector.shape_cast %swap3A_319 : vector<1x1x16xi32> to vector<16xi32>
          %swap3A_321 = vector.shape_cast %add3A_314 : vector<16xi32> to vector<1x1x16xi32>
          tpu.vector_store %arg14[%swap3A_316, %swap3A_317, %swap3A_318], %swap3A_321 {strides = array<i32>} : memref<2x1x1024xi32, #tpu.memory_space<vmem>>, vector<1x1x16xi32>,
          %mul3A_322 = arith.constant 128 : i32
          %mul3A_323 = arith.muli %scan3A_294, %mul3A_322 : i32
          %add3A_324 = arith.constant 16 : i32
          %add3A_325 = arith.addi %mul3A_323, %add3A_324 : i32
          %get3A_326 = arith.index_cast %add3A_325 : i32 to index
          %get3A_327 = tpu.vector_load %arg8[%get3A_326] {strides = array<i32>} : memref<1024xi32, #tpu.memory_space<vmem>>, vector<16xi32>,
          %get3A_328 = vector.shape_cast %get3A_327 : vector<16xi32> to vector<16xi32>
          %get3A_329 = arith.index_cast %add3A_325 : i32 to index
          %get3A_330 = tpu.vector_load %arg9[%get3A_329] {strides = array<i32>} : memref<1024xi32, #tpu.memory_space<vmem>>, vector<16xi32>,
          %get3A_331 = vector.shape_cast %get3A_330 : vector<16xi32> to vector<16xi32>
          %get3A_332 = arith.index_cast %add3A_325 : i32 to index
          %get3A_333 = tpu.vector_load %arg10[%get3A_332] {strides = array<i32>} : memref<1024xi32, #tpu.memory_space<vmem>>, vector<16xi32>,
          %get3A_334 = vector.shape_cast %get3A_333 : vector<16xi32> to vector<16xi32>
          %mul3A_335 = arith.constant 921600 : i32
          %mul3A_336 = vector.broadcast %mul3A_335 : i32 to vector<16xi32>
          %mul3A_337 = arith.muli %get3A_334, %mul3A_336 : vector<16xi32>
          %mul3A_338 = arith.constant 720 : i32
          %mul3A_339 = vector.broadcast %mul3A_338 : i32 to vector<16xi32>
          %mul3A_340 = arith.muli %get3A_328, %mul3A_339 : vector<16xi32>
          %add3A_341 = arith.addi %mul3A_337, %mul3A_340 : vector<16xi32>
          %add3A_342 = arith.addi %add3A_341, %get3A_331 : vector<16xi32>
          %swap3A_343 = arith.constant 0 : i32
          %swap3A_344 = arith.constant 0 : i32
          %swap3A_345 = arith.index_cast %swap3A_343 : i32 to index
          %swap3A_346 = arith.index_cast %swap3A_344 : i32 to index
          %swap3A_347 = arith.index_cast %add3A_325 : i32 to index
          %swap3A_348 = tpu.vector_load %arg14[%swap3A_345, %swap3A_346, %swap3A_347] {strides = array<i32>} : memref<2x1x1024xi32, #tpu.memory_space<vmem>>, vector<1x1x16xi32>,
          %swap3A_349 = vector.shape_cast %swap3A_348 : vector<1x1x16xi32> to vector<16xi32>
          %swap3A_350 = vector.shape_cast %add3A_342 : vector<16xi32> to vector<1x1x16xi32>
          tpu.vector_store %arg14[%swap3A_345, %swap3A_346, %swap3A_347], %swap3A_350 {strides = array<i32>} : memref<2x1x1024xi32, #tpu.memory_space<vmem>>, vector<1x1x16xi32>,
          %mul3A_351 = arith.constant 128 : i32
          %mul3A_352 = arith.muli %scan3A_294, %mul3A_351 : i32
          %add3A_353 = arith.constant 32 : i32
          %add3A_354 = arith.addi %mul3A_352, %add3A_353 : i32
          %get3A_355 = arith.index_cast %add3A_354 : i32 to index
          %get3A_356 = tpu.vector_load %arg8[%get3A_355] {strides = array<i32>} : memref<1024xi32, #tpu.memory_space<vmem>>, vector<16xi32>,
          %get3A_357 = vector.shape_cast %get3A_356 : vector<16xi32> to vector<16xi32>
          %get3A_358 = arith.index_cast %add3A_354 : i32 to index
          %get3A_359 = tpu.vector_load %arg9[%get3A_358] {strides = array<i32>} : memref<1024xi32, #tpu.memory_space<vmem>>, vector<16xi32>,
          %get3A_360 = vector.shape_cast %get3A_359 : vector<16xi32> to vector<16xi32>
          %get3A_361 = arith.index_cast %add3A_354 : i32 to index
          %get3A_362 = tpu.vector_load %arg10[%get3A_361] {strides = array<i32>} : memref<1024xi32, #tpu.memory_space<vmem>>, vector<16xi32>,
          %get3A_363 = vector.shape_cast %get3A_362 : vector<16xi32> to vector<16xi32>
          %mul3A_364 = arith.constant 921600 : i32
          %mul3A_365 = vector.broadcast %mul3A_364 : i32 to vector<16xi32>
          %mul3A_366 = arith.muli %get3A_363, %mul3A_365 : vector<16xi32>
          %mul3A_367 = arith.constant 720 : i32
          %mul3A_368 = vector.broadcast %mul3A_367 : i32 to vector<16xi32>
          %mul3A_369 = arith.muli %get3A_357, %mul3A_368 : vector<16xi32>
          %add3A_370 = arith.addi %mul3A_366, %mul3A_369 : vector<16xi32>
          %add3A_371 = arith.addi %add3A_370, %get3A_360 : vector<16xi32>
          %swap3A_372 = arith.constant 0 : i32
          %swap3A_373 = arith.constant 0 : i32
          %swap3A_374 = arith.index_cast %swap3A_372 : i32 to index
          %swap3A_375 = arith.index_cast %swap3A_373 : i32 to index
          %swap3A_376 = arith.index_cast %add3A_354 : i32 to index
          %swap3A_377 = tpu.vector_load %arg14[%swap3A_374, %swap3A_375, %swap3A_376] {strides = array<i32>} : memref<2x1x1024xi32, #tpu.memory_space<vmem>>, vector<1x1x16xi32>,
          %swap3A_378 = vector.shape_cast %swap3A_377 : vector<1x1x16xi32> to vector<16xi32>
          %swap3A_379 = vector.shape_cast %add3A_371 : vector<16xi32> to vector<1x1x16xi32>
          tpu.vector_store %arg14[%swap3A_374, %swap3A_375, %swap3A_376], %swap3A_379 {strides = array<i32>} : memref<2x1x1024xi32, #tpu.memory_space<vmem>>, vector<1x1x16xi32>,
          %mul3A_380 = arith.constant 128 : i32
          %mul3A_381 = arith.muli %scan3A_294, %mul3A_380 : i32
          %add3A_382 = arith.constant 48 : i32
          %add3A_383 = arith.addi %mul3A_381, %add3A_382 : i32
          %get3A_384 = arith.index_cast %add3A_383 : i32 to index
          %get3A_385 = tpu.vector_load %arg8[%get3A_384] {strides = array<i32>} : memref<1024xi32, #tpu.memory_space<vmem>>, vector<16xi32>,
          %get3A_386 = vector.shape_cast %get3A_385 : vector<16xi32> to vector<16xi32>
          %get3A_387 = arith.index_cast %add3A_383 : i32 to index
          %get3A_388 = tpu.vector_load %arg9[%get3A_387] {strides = array<i32>} : memref<1024xi32, #tpu.memory_space<vmem>>, vector<16xi32>,
          %get3A_389 = vector.shape_cast %get3A_388 : vector<16xi32> to vector<16xi32>
          %get3A_390 = arith.index_cast %add3A_383 : i32 to index
          %get3A_391 = tpu.vector_load %arg10[%get3A_390] {strides = array<i32>} : memref<1024xi32, #tpu.memory_space<vmem>>, vector<16xi32>,
          %get3A_392 = vector.shape_cast %get3A_391 : vector<16xi32> to vector<16xi32>
          %mul3A_393 = arith.constant 921600 : i32
          %mul3A_394 = vector.broadcast %mul3A_393 : i32 to vector<16xi32>
          %mul3A_395 = arith.muli %get3A_392, %mul3A_394 : vector<16xi32>
          %mul3A_396 = arith.constant 720 : i32
          %mul3A_397 = vector.broadcast %mul3A_396 : i32 to vector<16xi32>
          %mul3A_398 = arith.muli %get3A_386, %mul3A_397 : vector<16xi32>
          %add3A_399 = arith.addi %mul3A_395, %mul3A_398 : vector<16xi32>
          %add3A_400 = arith.addi %add3A_399, %get3A_389 : vector<16xi32>
          %swap3A_401 = arith.constant 0 : i32
          %swap3A_402 = arith.constant 0 : i32
          %swap3A_403 = arith.index_cast %swap3A_401 : i32 to index
          %swap3A_404 = arith.index_cast %swap3A_402 : i32 to index
          %swap3A_405 = arith.index_cast %add3A_383 : i32 to index
          %swap3A_406 = tpu.vector_load %arg14[%swap3A_403, %swap3A_404, %swap3A_405] {strides = array<i32>} : memref<2x1x1024xi32, #tpu.memory_space<vmem>>, vector<1x1x16xi32>,
          %swap3A_407 = vector.shape_cast %swap3A_406 : vector<1x1x16xi32> to vector<16xi32>
          %swap3A_408 = vector.shape_cast %add3A_400 : vector<16xi32> to vector<1x1x16xi32>
          tpu.vector_store %arg14[%swap3A_403, %swap3A_404, %swap3A_405], %swap3A_408 {strides = array<i32>} : memref<2x1x1024xi32, #tpu.memory_space<vmem>>, vector<1x1x16xi32>,
          %mul3A_409 = arith.constant 128 : i32
          %mul3A_410 = arith.muli %scan3A_294, %mul3A_409 : i32
          %add3A_411 = arith.constant 64 : i32
          %add3A_412 = arith.addi %mul3A_410, %add3A_411 : i32
          %get3A_413 = arith.index_cast %add3A_412 : i32 to index
          %get3A_414 = tpu.vector_load %arg8[%get3A_413] {strides = array<i32>} : memref<1024xi32, #tpu.memory_space<vmem>>, vector<16xi32>,
          %get3A_415 = vector.shape_cast %get3A_414 : vector<16xi32> to vector<16xi32>
          %get3A_416 = arith.index_cast %add3A_412 : i32 to index
          %get3A_417 = tpu.vector_load %arg9[%get3A_416] {strides = array<i32>} : memref<1024xi32, #tpu.memory_space<vmem>>, vector<16xi32>,
          %get3A_418 = vector.shape_cast %get3A_417 : vector<16xi32> to vector<16xi32>
          %get3A_419 = arith.index_cast %add3A_412 : i32 to index
          %get3A_420 = tpu.vector_load %arg10[%get3A_419] {strides = array<i32>} : memref<1024xi32, #tpu.memory_space<vmem>>, vector<16xi32>,
          %get3A_421 = vector.shape_cast %get3A_420 : vector<16xi32> to vector<16xi32>
          %mul3A_422 = arith.constant 921600 : i32
          %mul3A_423 = vector.broadcast %mul3A_422 : i32 to vector<16xi32>
          %mul3A_424 = arith.muli %get3A_421, %mul3A_423 : vector<16xi32>
          %mul3A_425 = arith.constant 720 : i32
          %mul3A_426 = vector.broadcast %mul3A_425 : i32 to vector<16xi32>
          %mul3A_427 = arith.muli %get3A_415, %mul3A_426 : vector<16xi32>
          %add3A_428 = arith.addi %mul3A_424, %mul3A_427 : vector<16xi32>
          %add3A_429 = arith.addi %add3A_428, %get3A_418 : vector<16xi32>
          %swap3A_430 = arith.constant 0 : i32
          %swap3A_431 = arith.constant 0 : i32
          %swap3A_432 = arith.index_cast %swap3A_430 : i32 to index
          %swap3A_433 = arith.index_cast %swap3A_431 : i32 to index
          %swap3A_434 = arith.index_cast %add3A_412 : i32 to index
          %swap3A_435 = tpu.vector_load %arg14[%swap3A_432, %swap3A_433, %swap3A_434] {strides = array<i32>} : memref<2x1x1024xi32, #tpu.memory_space<vmem>>, vector<1x1x16xi32>,
          %swap3A_436 = vector.shape_cast %swap3A_435 : vector<1x1x16xi32> to vector<16xi32>
          %swap3A_437 = vector.shape_cast %add3A_429 : vector<16xi32> to vector<1x1x16xi32>
          tpu.vector_store %arg14[%swap3A_432, %swap3A_433, %swap3A_434], %swap3A_437 {strides = array<i32>} : memref<2x1x1024xi32, #tpu.memory_space<vmem>>, vector<1x1x16xi32>,
          %mul3A_438 = arith.constant 128 : i32
          %mul3A_439 = arith.muli %scan3A_294, %mul3A_438 : i32
          %add3A_440 = arith.constant 80 : i32
          %add3A_441 = arith.addi %mul3A_439, %add3A_440 : i32
          %get3A_442 = arith.index_cast %add3A_441 : i32 to index
          %get3A_443 = tpu.vector_load %arg8[%get3A_442] {strides = array<i32>} : memref<1024xi32, #tpu.memory_space<vmem>>, vector<16xi32>,
          %get3A_444 = vector.shape_cast %get3A_443 : vector<16xi32> to vector<16xi32>
          %get3A_445 = arith.index_cast %add3A_441 : i32 to index
          %get3A_446 = tpu.vector_load %arg9[%get3A_445] {strides = array<i32>} : memref<1024xi32, #tpu.memory_space<vmem>>, vector<16xi32>,
          %get3A_447 = vector.shape_cast %get3A_446 : vector<16xi32> to vector<16xi32>
          %get3A_448 = arith.index_cast %add3A_441 : i32 to index
          %get3A_449 = tpu.vector_load %arg10[%get3A_448] {strides = array<i32>} : memref<1024xi32, #tpu.memory_space<vmem>>, vector<16xi32>,
          %get3A_450 = vector.shape_cast %get3A_449 : vector<16xi32> to vector<16xi32>
          %mul3A_451 = arith.constant 921600 : i32
          %mul3A_452 = vector.broadcast %mul3A_451 : i32 to vector<16xi32>
          %mul3A_453 = arith.muli %get3A_450, %mul3A_452 : vector<16xi32>
          %mul3A_454 = arith.constant 720 : i32
          %mul3A_455 = vector.broadcast %mul3A_454 : i32 to vector<16xi32>
          %mul3A_456 = arith.muli %get3A_444, %mul3A_455 : vector<16xi32>
          %add3A_457 = arith.addi %mul3A_453, %mul3A_456 : vector<16xi32>
          %add3A_458 = arith.addi %add3A_457, %get3A_447 : vector<16xi32>
          %swap3A_459 = arith.constant 0 : i32
          %swap3A_460 = arith.constant 0 : i32
          %swap3A_461 = arith.index_cast %swap3A_459 : i32 to index
          %swap3A_462 = arith.index_cast %swap3A_460 : i32 to index
          %swap3A_463 = arith.index_cast %add3A_441 : i32 to index
          %swap3A_464 = tpu.vector_load %arg14[%swap3A_461, %swap3A_462, %swap3A_463] {strides = array<i32>} : memref<2x1x1024xi32, #tpu.memory_space<vmem>>, vector<1x1x16xi32>,
          %swap3A_465 = vector.shape_cast %swap3A_464 : vector<1x1x16xi32> to vector<16xi32>
          %swap3A_466 = vector.shape_cast %add3A_458 : vector<16xi32> to vector<1x1x16xi32>
          tpu.vector_store %arg14[%swap3A_461, %swap3A_462, %swap3A_463], %swap3A_466 {strides = array<i32>} : memref<2x1x1024xi32, #tpu.memory_space<vmem>>, vector<1x1x16xi32>,
          %mul3A_467 = arith.constant 128 : i32
          %mul3A_468 = arith.muli %scan3A_294, %mul3A_467 : i32
          %add3A_469 = arith.constant 96 : i32
          %add3A_470 = arith.addi %mul3A_468, %add3A_469 : i32
          %get3A_471 = arith.index_cast %add3A_470 : i32 to index
          %get3A_472 = tpu.vector_load %arg8[%get3A_471] {strides = array<i32>} : memref<1024xi32, #tpu.memory_space<vmem>>, vector<16xi32>,
          %get3A_473 = vector.shape_cast %get3A_472 : vector<16xi32> to vector<16xi32>
          %get3A_474 = arith.index_cast %add3A_470 : i32 to index
          %get3A_475 = tpu.vector_load %arg9[%get3A_474] {strides = array<i32>} : memref<1024xi32, #tpu.memory_space<vmem>>, vector<16xi32>,
          %get3A_476 = vector.shape_cast %get3A_475 : vector<16xi32> to vector<16xi32>
          %get3A_477 = arith.index_cast %add3A_470 : i32 to index
          %get3A_478 = tpu.vector_load %arg10[%get3A_477] {strides = array<i32>} : memref<1024xi32, #tpu.memory_space<vmem>>, vector<16xi32>,
          %get3A_479 = vector.shape_cast %get3A_478 : vector<16xi32> to vector<16xi32>
          %mul3A_480 = arith.constant 921600 : i32
          %mul3A_481 = vector.broadcast %mul3A_480 : i32 to vector<16xi32>
          %mul3A_482 = arith.muli %get3A_479, %mul3A_481 : vector<16xi32>
          %mul3A_483 = arith.constant 720 : i32
          %mul3A_484 = vector.broadcast %mul3A_483 : i32 to vector<16xi32>
          %mul3A_485 = arith.muli %get3A_473, %mul3A_484 : vector<16xi32>
          %add3A_486 = arith.addi %mul3A_482, %mul3A_485 : vector<16xi32>
          %add3A_487 = arith.addi %add3A_486, %get3A_476 : vector<16xi32>
          %swap3A_488 = arith.constant 0 : i32
          %swap3A_489 = arith.constant 0 : i32
          %swap3A_490 = arith.index_cast %swap3A_488 : i32 to index
          %swap3A_491 = arith.index_cast %swap3A_489 : i32 to index
          %swap3A_492 = arith.index_cast %add3A_470 : i32 to index
          %swap3A_493 = tpu.vector_load %arg14[%swap3A_490, %swap3A_491, %swap3A_492] {strides = array<i32>} : memref<2x1x1024xi32, #tpu.memory_space<vmem>>, vector<1x1x16xi32>,
          %swap3A_494 = vector.shape_cast %swap3A_493 : vector<1x1x16xi32> to vector<16xi32>
          %swap3A_495 = vector.shape_cast %add3A_487 : vector<16xi32> to vector<1x1x16xi32>
          tpu.vector_store %arg14[%swap3A_490, %swap3A_491, %swap3A_492], %swap3A_495 {strides = array<i32>} : memref<2x1x1024xi32, #tpu.memory_space<vmem>>, vector<1x1x16xi32>,
          %mul3A_496 = arith.constant 128 : i32
          %mul3A_497 = arith.muli %scan3A_294, %mul3A_496 : i32
          %add3A_498 = arith.constant 112 : i32
          %add3A_499 = arith.addi %mul3A_497, %add3A_498 : i32
          %get3A_500 = arith.index_cast %add3A_499 : i32 to index
          %get3A_501 = tpu.vector_load %arg8[%get3A_500] {strides = array<i32>} : memref<1024xi32, #tpu.memory_space<vmem>>, vector<16xi32>,
          %get3A_502 = vector.shape_cast %get3A_501 : vector<16xi32> to vector<16xi32>
          %get3A_503 = arith.index_cast %add3A_499 : i32 to index
          %get3A_504 = tpu.vector_load %arg9[%get3A_503] {strides = array<i32>} : memref<1024xi32, #tpu.memory_space<vmem>>, vector<16xi32>,
          %get3A_505 = vector.shape_cast %get3A_504 : vector<16xi32> to vector<16xi32>
          %get3A_506 = arith.index_cast %add3A_499 : i32 to index
          %get3A_507 = tpu.vector_load %arg10[%get3A_506] {strides = array<i32>} : memref<1024xi32, #tpu.memory_space<vmem>>, vector<16xi32>,
          %get3A_508 = vector.shape_cast %get3A_507 : vector<16xi32> to vector<16xi32>
          %mul3A_509 = arith.constant 921600 : i32
          %mul3A_510 = vector.broadcast %mul3A_509 : i32 to vector<16xi32>
          %mul3A_511 = arith.muli %get3A_508, %mul3A_510 : vector<16xi32>
          %mul3A_512 = arith.constant 720 : i32
          %mul3A_513 = vector.broadcast %mul3A_512 : i32 to vector<16xi32>
          %mul3A_514 = arith.muli %get3A_502, %mul3A_513 : vector<16xi32>
          %add3A_515 = arith.addi %mul3A_511, %mul3A_514 : vector<16xi32>
          %add3A_516 = arith.addi %add3A_515, %get3A_505 : vector<16xi32>
          %swap3A_517 = arith.constant 0 : i32
          %swap3A_518 = arith.constant 0 : i32
          %swap3A_519 = arith.index_cast %swap3A_517 : i32 to index
          %swap3A_520 = arith.index_cast %swap3A_518 : i32 to index
          %swap3A_521 = arith.index_cast %add3A_499 : i32 to index
          %swap3A_522 = tpu.vector_load %arg14[%swap3A_519, %swap3A_520, %swap3A_521] {strides = array<i32>} : memref<2x1x1024xi32, #tpu.memory_space<vmem>>, vector<1x1x16xi32>,
          %swap3A_523 = vector.shape_cast %swap3A_522 : vector<1x1x16xi32> to vector<16xi32>
          %swap3A_524 = vector.shape_cast %add3A_516 : vector<16xi32> to vector<1x1x16xi32>
          tpu.vector_store %arg14[%swap3A_519, %swap3A_520, %swap3A_521], %swap3A_524 {strides = array<i32>} : memref<2x1x1024xi32, #tpu.memory_space<vmem>>, vector<1x1x16xi32>,
        }
        %scan3A_246 = arith.constant 8 : i32
        %dma_start3A_247 = arith.constant 0 : i32
        %dma_start3A_248 = arith.constant 0 : i32
        %dma_start3A_249 = arith.constant 0 : i32
        %dma_start3A_250 = tpu.memref_slice %arg14[%dma_start3A_247, %dma_start3A_248, %dma_start3A_249] : memref<2x1x1024xi32, #tpu.memory_space<vmem>> -> memref<1x1x1024xi32, #tpu.memory_space<vmem>>
        %dma_start3A_251 = tpu.memref_squeeze %dma_start3A_250 : memref<1x1x1024xi32, #tpu.memory_space<vmem>> -> memref<1024xi32, #tpu.memory_space<vmem>>
        %dma_start3A_252 = arith.constant 0 : i32
        %dma_start3A_253 = tpu.memref_slice %arg7[%dma_start3A_252] : memref<1843328xi32, #tpu.memory_space<vmem_shared>> -> memref<1843328xi32, #tpu.memory_space<vmem_shared>>
        tpu.enqueue_indirect_dma source(%arg15 : memref<1024xi32, #tpu.memory_space<vmem>>) target(%dma_start3A_253 : memref<1843328xi32, #tpu.memory_space<vmem_shared>>) offsets(%dma_start3A_251 : memref<1024xi32, #tpu.memory_space<vmem>>) semaphore(%run_scoped3A_1 : memref<!tpu.dma_semaphore, #tpu.memory_space<semaphore_mem>>)
        %lt3A = arith.constant 62 : i32
        %lt3A_254 = arith.cmpi slt, %add3A_227, %lt3A : i32
        %convert_element_type3A_255 = arith.extui %lt3A_254 : i1 to i32
        %cond3A_256 = arith.constant 0 : i32
        %cond3A_257 = arith.cmpi ne, %convert_element_type3A_255, %cond3A_256 : i32
        scf.if %cond3A_257 {
          %add3A_294 = arith.constant 2 : i32
          %add3A_295 = arith.addi %add3A_227, %add3A_294 : i32
          %mul3A_296 = arith.constant 1024 : i32
          %mul3A_297 = arith.muli %add3A_295, %mul3A_296 : i32
          %add3A_298 = arith.addi %min3A_20, %mul3A_297 : i32
          %dma_start3A_299 = tpu.memref_slice %arg2[%add3A_298] : memref<2000000xi32, #tpu.memory_space<hbm>> -> memref<1024xi32, #tpu.memory_space<hbm>>
          %dma_start3A_300 = tpu.memref_slice %arg2[%add3A_298] : memref<2000000xi32, #tpu.memory_space<hbm>> -> memref<1024xi32, #tpu.memory_space<hbm>>
          tpu.enqueue_dma source(%dma_start3A_300 : memref<1024xi32, #tpu.memory_space<hbm>>) target(%arg8 : memref<1024xi32, #tpu.memory_space<vmem>>) target_semaphore(%run_scoped3A : memref<!tpu.dma_semaphore, #tpu.memory_space<semaphore_mem>>)
          %dma_start3A_301 = tpu.memref_slice %arg3[%add3A_298] : memref<2000000xi32, #tpu.memory_space<hbm>> -> memref<1024xi32, #tpu.memory_space<hbm>>
          %dma_start3A_302 = tpu.memref_slice %arg3[%add3A_298] : memref<2000000xi32, #tpu.memory_space<hbm>> -> memref<1024xi32, #tpu.memory_space<hbm>>
          tpu.enqueue_dma source(%dma_start3A_302 : memref<1024xi32, #tpu.memory_space<hbm>>) target(%arg9 : memref<1024xi32, #tpu.memory_space<vmem>>) target_semaphore(%run_scoped3A : memref<!tpu.dma_semaphore, #tpu.memory_space<semaphore_mem>>)
          %dma_start3A_303 = tpu.memref_slice %arg4[%add3A_298] : memref<2000000xi32, #tpu.memory_space<hbm>> -> memref<1024xi32, #tpu.memory_space<hbm>>
          %dma_start3A_304 = tpu.memref_slice %arg4[%add3A_298] : memref<2000000xi32, #tpu.memory_space<hbm>> -> memref<1024xi32, #tpu.memory_space<hbm>>
          tpu.enqueue_dma source(%dma_start3A_304 : memref<1024xi32, #tpu.memory_space<hbm>>) target(%arg10 : memref<1024xi32, #tpu.memory_space<vmem>>) target_semaphore(%run_scoped3A : memref<!tpu.dma_semaphore, #tpu.memory_space<semaphore_mem>>)
        } else {
        }
        %mul3A_258 = arith.constant 2 : i32
        %mul3A_259 = arith.muli %mul3A_258, %scan3A_223 : i32
        %add3A_260 = arith.constant 1 : i32
        %add3A_261 = arith.addi %mul3A_259, %add3A_260 : i32
        %mul3A_262 = arith.constant 1024 : i32
        %mul3A_263 = arith.muli %add3A_261, %mul3A_262 : i32
        %add3A_264 = arith.addi %min3A_20, %mul3A_263 : i32
        %dma_wait3A_265 = tpu.memref_slice %arg2[%add3A_264] : memref<2000000xi32, #tpu.memory_space<hbm>> -> memref<1024xi32, #tpu.memory_space<hbm>>
        %dma_wait3A_266 = tpu.memref_slice %arg2[%add3A_264] : memref<2000000xi32, #tpu.memory_space<hbm>> -> memref<1024xi32, #tpu.memory_space<hbm>>
        tpu.wait_dma2 semaphore(%run_scoped3A_0 : memref<!tpu.dma_semaphore, #tpu.memory_space<semaphore_mem>>) src(%dma_wait3A_266 : memref<1024xi32, #tpu.memory_space<hbm>>) dst(%arg11 : memref<1024xi32, #tpu.memory_space<vmem>>)
        %dma_wait3A_267 = tpu.memref_slice %arg3[%add3A_264] : memref<2000000xi32, #tpu.memory_space<hbm>> -> memref<1024xi32, #tpu.memory_space<hbm>>
        %dma_wait3A_268 = tpu.memref_slice %arg3[%add3A_264] : memref<2000000xi32, #tpu.memory_space<hbm>> -> memref<1024xi32, #tpu.memory_space<hbm>>
        tpu.wait_dma2 semaphore(%run_scoped3A_0 : memref<!tpu.dma_semaphore, #tpu.memory_space<semaphore_mem>>) src(%dma_wait3A_268 : memref<1024xi32, #tpu.memory_space<hbm>>) dst(%arg12 : memref<1024xi32, #tpu.memory_space<vmem>>)
        %dma_wait3A_269 = tpu.memref_slice %arg4[%add3A_264] : memref<2000000xi32, #tpu.memory_space<hbm>> -> memref<1024xi32, #tpu.memory_space<hbm>>
        %dma_wait3A_270 = tpu.memref_slice %arg4[%add3A_264] : memref<2000000xi32, #tpu.memory_space<hbm>> -> memref<1024xi32, #tpu.memory_space<hbm>>
        tpu.wait_dma2 semaphore(%run_scoped3A_0 : memref<!tpu.dma_semaphore, #tpu.memory_space<semaphore_mem>>) src(%dma_wait3A_270 : memref<1024xi32, #tpu.memory_space<hbm>>) dst(%arg13 : memref<1024xi32, #tpu.memory_space<vmem>>)
        %ge3A_271 = arith.constant 1 : i32
        %ge3A_272 = arith.cmpi sge, %scan3A_223, %ge3A_271 : i32
        %convert_element_type3A_273 = arith.extui %ge3A_272 : i1 to i32
        %cond3A_274 = arith.constant 0 : i32
        %cond3A_275 = arith.cmpi ne, %convert_element_type3A_273, %cond3A_274 : i32
        scf.if %cond3A_275 {
          %dma_wait3A_294 = arith.constant 1 : i32
          %dma_wait3A_295 = arith.constant 0 : i32
          %dma_wait3A_296 = arith.constant 0 : i32
          %dma_wait3A_297 = tpu.memref_slice %arg14[%dma_wait3A_294, %dma_wait3A_295, %dma_wait3A_296] : memref<2x1x1024xi32, #tpu.memory_space<vmem>> -> memref<1x1x1024xi32, #tpu.memory_space<vmem>>
          %dma_wait3A_298 = tpu.memref_squeeze %dma_wait3A_297 : memref<1x1x1024xi32, #tpu.memory_space<vmem>> -> memref<1024xi32, #tpu.memory_space<vmem>>
          %dma_wait3A_299 = arith.constant 0 : i32
          %dma_wait3A_300 = tpu.memref_slice %arg7[%dma_wait3A_299] : memref<1843328xi32, #tpu.memory_space<vmem_shared>> -> memref<1843328xi32, #tpu.memory_space<vmem_shared>>
          tpu.wait_indirect_dma semaphore(%run_scoped3A_2 : memref<!tpu.dma_semaphore, #tpu.memory_space<semaphore_mem>>) src(%arg15 : memref<1024xi32, #tpu.memory_space<vmem>>) dst(%dma_wait3A_300 : memref<1843328xi32, #tpu.memory_space<vmem_shared>>)
        } else {
        }
        %scan3A_276 = arith.constant 0 : i32
        %scan3A_277 = arith.constant 0 : i32
        %scan3A_278 = arith.constant 8 : i32
        %scan3A_279 = arith.addi %scan3A_277, %scan3A_278 : i32
        %scan3A_280 = arith.constant 1 : i32
        scf.for %scan3A_294 = %scan3A_277 to %scan3A_279 step %scan3A_280  : i32 {
          %mul3A_295 = arith.constant 128 : i32
          %mul3A_296 = arith.muli %scan3A_294, %mul3A_295 : i32
          %add3A_297 = arith.constant 0 : i32
          %add3A_298 = arith.addi %mul3A_296, %add3A_297 : i32
          %get3A = arith.index_cast %add3A_298 : i32 to index
          %get3A_299 = tpu.vector_load %arg11[%get3A] {strides = array<i32>} : memref<1024xi32, #tpu.memory_space<vmem>>, vector<16xi32>,
          %get3A_300 = vector.shape_cast %get3A_299 : vector<16xi32> to vector<16xi32>
          %get3A_301 = arith.index_cast %add3A_298 : i32 to index
          %get3A_302 = tpu.vector_load %arg12[%get3A_301] {strides = array<i32>} : memref<1024xi32, #tpu.memory_space<vmem>>, vector<16xi32>,
          %get3A_303 = vector.shape_cast %get3A_302 : vector<16xi32> to vector<16xi32>
          %get3A_304 = arith.index_cast %add3A_298 : i32 to index
          %get3A_305 = tpu.vector_load %arg13[%get3A_304] {strides = array<i32>} : memref<1024xi32, #tpu.memory_space<vmem>>, vector<16xi32>,
          %get3A_306 = vector.shape_cast %get3A_305 : vector<16xi32> to vector<16xi32>
          %mul3A_307 = arith.constant 921600 : i32
          %mul3A_308 = vector.broadcast %mul3A_307 : i32 to vector<16xi32>
          %mul3A_309 = arith.muli %get3A_306, %mul3A_308 : vector<16xi32>
          %mul3A_310 = arith.constant 720 : i32
          %mul3A_311 = vector.broadcast %mul3A_310 : i32 to vector<16xi32>
          %mul3A_312 = arith.muli %get3A_300, %mul3A_311 : vector<16xi32>
          %add3A_313 = arith.addi %mul3A_309, %mul3A_312 : vector<16xi32>
          %add3A_314 = arith.addi %add3A_313, %get3A_303 : vector<16xi32>
          %swap3A = arith.constant 1 : i32
          %swap3A_315 = arith.constant 0 : i32
          %swap3A_316 = arith.index_cast %swap3A : i32 to index
          %swap3A_317 = arith.index_cast %swap3A_315 : i32 to index
          %swap3A_318 = arith.index_cast %add3A_298 : i32 to index
          %swap3A_319 = tpu.vector_load %arg14[%swap3A_316, %swap3A_317, %swap3A_318] {strides = array<i32>} : memref<2x1x1024xi32, #tpu.memory_space<vmem>>, vector<1x1x16xi32>,
          %swap3A_320 = vector.shape_cast %swap3A_319 : vector<1x1x16xi32> to vector<16xi32>
          %swap3A_321 = vector.shape_cast %add3A_314 : vector<16xi32> to vector<1x1x16xi32>
          tpu.vector_store %arg14[%swap3A_316, %swap3A_317, %swap3A_318], %swap3A_321 {strides = array<i32>} : memref<2x1x1024xi32, #tpu.memory_space<vmem>>, vector<1x1x16xi32>,
          %mul3A_322 = arith.constant 128 : i32
          %mul3A_323 = arith.muli %scan3A_294, %mul3A_322 : i32
          %add3A_324 = arith.constant 16 : i32
          %add3A_325 = arith.addi %mul3A_323, %add3A_324 : i32
          %get3A_326 = arith.index_cast %add3A_325 : i32 to index
          %get3A_327 = tpu.vector_load %arg11[%get3A_326] {strides = array<i32>} : memref<1024xi32, #tpu.memory_space<vmem>>, vector<16xi32>,
          %get3A_328 = vector.shape_cast %get3A_327 : vector<16xi32> to vector<16xi32>
          %get3A_329 = arith.index_cast %add3A_325 : i32 to index
          %get3A_330 = tpu.vector_load %arg12[%get3A_329] {strides = array<i32>} : memref<1024xi32, #tpu.memory_space<vmem>>, vector<16xi32>,
          %get3A_331 = vector.shape_cast %get3A_330 : vector<16xi32> to vector<16xi32>
          %get3A_332 = arith.index_cast %add3A_325 : i32 to index
          %get3A_333 = tpu.vector_load %arg13[%get3A_332] {strides = array<i32>} : memref<1024xi32, #tpu.memory_space<vmem>>, vector<16xi32>,
          %get3A_334 = vector.shape_cast %get3A_333 : vector<16xi32> to vector<16xi32>
          %mul3A_335 = arith.constant 921600 : i32
          %mul3A_336 = vector.broadcast %mul3A_335 : i32 to vector<16xi32>
          %mul3A_337 = arith.muli %get3A_334, %mul3A_336 : vector<16xi32>
          %mul3A_338 = arith.constant 720 : i32
          %mul3A_339 = vector.broadcast %mul3A_338 : i32 to vector<16xi32>
          %mul3A_340 = arith.muli %get3A_328, %mul3A_339 : vector<16xi32>
          %add3A_341 = arith.addi %mul3A_337, %mul3A_340 : vector<16xi32>
          %add3A_342 = arith.addi %add3A_341, %get3A_331 : vector<16xi32>
          %swap3A_343 = arith.constant 1 : i32
          %swap3A_344 = arith.constant 0 : i32
          %swap3A_345 = arith.index_cast %swap3A_343 : i32 to index
          %swap3A_346 = arith.index_cast %swap3A_344 : i32 to index
          %swap3A_347 = arith.index_cast %add3A_325 : i32 to index
          %swap3A_348 = tpu.vector_load %arg14[%swap3A_345, %swap3A_346, %swap3A_347] {strides = array<i32>} : memref<2x1x1024xi32, #tpu.memory_space<vmem>>, vector<1x1x16xi32>,
          %swap3A_349 = vector.shape_cast %swap3A_348 : vector<1x1x16xi32> to vector<16xi32>
          %swap3A_350 = vector.shape_cast %add3A_342 : vector<16xi32> to vector<1x1x16xi32>
          tpu.vector_store %arg14[%swap3A_345, %swap3A_346, %swap3A_347], %swap3A_350 {strides = array<i32>} : memref<2x1x1024xi32, #tpu.memory_space<vmem>>, vector<1x1x16xi32>,
          %mul3A_351 = arith.constant 128 : i32
          %mul3A_352 = arith.muli %scan3A_294, %mul3A_351 : i32
          %add3A_353 = arith.constant 32 : i32
          %add3A_354 = arith.addi %mul3A_352, %add3A_353 : i32
          %get3A_355 = arith.index_cast %add3A_354 : i32 to index
          %get3A_356 = tpu.vector_load %arg11[%get3A_355] {strides = array<i32>} : memref<1024xi32, #tpu.memory_space<vmem>>, vector<16xi32>,
          %get3A_357 = vector.shape_cast %get3A_356 : vector<16xi32> to vector<16xi32>
          %get3A_358 = arith.index_cast %add3A_354 : i32 to index
          %get3A_359 = tpu.vector_load %arg12[%get3A_358] {strides = array<i32>} : memref<1024xi32, #tpu.memory_space<vmem>>, vector<16xi32>,
          %get3A_360 = vector.shape_cast %get3A_359 : vector<16xi32> to vector<16xi32>
          %get3A_361 = arith.index_cast %add3A_354 : i32 to index
          %get3A_362 = tpu.vector_load %arg13[%get3A_361] {strides = array<i32>} : memref<1024xi32, #tpu.memory_space<vmem>>, vector<16xi32>,
          %get3A_363 = vector.shape_cast %get3A_362 : vector<16xi32> to vector<16xi32>
          %mul3A_364 = arith.constant 921600 : i32
          %mul3A_365 = vector.broadcast %mul3A_364 : i32 to vector<16xi32>
          %mul3A_366 = arith.muli %get3A_363, %mul3A_365 : vector<16xi32>
          %mul3A_367 = arith.constant 720 : i32
          %mul3A_368 = vector.broadcast %mul3A_367 : i32 to vector<16xi32>
          %mul3A_369 = arith.muli %get3A_357, %mul3A_368 : vector<16xi32>
          %add3A_370 = arith.addi %mul3A_366, %mul3A_369 : vector<16xi32>
          %add3A_371 = arith.addi %add3A_370, %get3A_360 : vector<16xi32>
          %swap3A_372 = arith.constant 1 : i32
          %swap3A_373 = arith.constant 0 : i32
          %swap3A_374 = arith.index_cast %swap3A_372 : i32 to index
          %swap3A_375 = arith.index_cast %swap3A_373 : i32 to index
          %swap3A_376 = arith.index_cast %add3A_354 : i32 to index
          %swap3A_377 = tpu.vector_load %arg14[%swap3A_374, %swap3A_375, %swap3A_376] {strides = array<i32>} : memref<2x1x1024xi32, #tpu.memory_space<vmem>>, vector<1x1x16xi32>,
          %swap3A_378 = vector.shape_cast %swap3A_377 : vector<1x1x16xi32> to vector<16xi32>
          %swap3A_379 = vector.shape_cast %add3A_371 : vector<16xi32> to vector<1x1x16xi32>
          tpu.vector_store %arg14[%swap3A_374, %swap3A_375, %swap3A_376], %swap3A_379 {strides = array<i32>} : memref<2x1x1024xi32, #tpu.memory_space<vmem>>, vector<1x1x16xi32>,
          %mul3A_380 = arith.constant 128 : i32
          %mul3A_381 = arith.muli %scan3A_294, %mul3A_380 : i32
          %add3A_382 = arith.constant 48 : i32
          %add3A_383 = arith.addi %mul3A_381, %add3A_382 : i32
          %get3A_384 = arith.index_cast %add3A_383 : i32 to index
          %get3A_385 = tpu.vector_load %arg11[%get3A_384] {strides = array<i32>} : memref<1024xi32, #tpu.memory_space<vmem>>, vector<16xi32>,
          %get3A_386 = vector.shape_cast %get3A_385 : vector<16xi32> to vector<16xi32>
          %get3A_387 = arith.index_cast %add3A_383 : i32 to index
          %get3A_388 = tpu.vector_load %arg12[%get3A_387] {strides = array<i32>} : memref<1024xi32, #tpu.memory_space<vmem>>, vector<16xi32>,
          %get3A_389 = vector.shape_cast %get3A_388 : vector<16xi32> to vector<16xi32>
          %get3A_390 = arith.index_cast %add3A_383 : i32 to index
          %get3A_391 = tpu.vector_load %arg13[%get3A_390] {strides = array<i32>} : memref<1024xi32, #tpu.memory_space<vmem>>, vector<16xi32>,
          %get3A_392 = vector.shape_cast %get3A_391 : vector<16xi32> to vector<16xi32>
          %mul3A_393 = arith.constant 921600 : i32
          %mul3A_394 = vector.broadcast %mul3A_393 : i32 to vector<16xi32>
          %mul3A_395 = arith.muli %get3A_392, %mul3A_394 : vector<16xi32>
          %mul3A_396 = arith.constant 720 : i32
          %mul3A_397 = vector.broadcast %mul3A_396 : i32 to vector<16xi32>
          %mul3A_398 = arith.muli %get3A_386, %mul3A_397 : vector<16xi32>
          %add3A_399 = arith.addi %mul3A_395, %mul3A_398 : vector<16xi32>
          %add3A_400 = arith.addi %add3A_399, %get3A_389 : vector<16xi32>
          %swap3A_401 = arith.constant 1 : i32
          %swap3A_402 = arith.constant 0 : i32
          %swap3A_403 = arith.index_cast %swap3A_401 : i32 to index
          %swap3A_404 = arith.index_cast %swap3A_402 : i32 to index
          %swap3A_405 = arith.index_cast %add3A_383 : i32 to index
          %swap3A_406 = tpu.vector_load %arg14[%swap3A_403, %swap3A_404, %swap3A_405] {strides = array<i32>} : memref<2x1x1024xi32, #tpu.memory_space<vmem>>, vector<1x1x16xi32>,
          %swap3A_407 = vector.shape_cast %swap3A_406 : vector<1x1x16xi32> to vector<16xi32>
          %swap3A_408 = vector.shape_cast %add3A_400 : vector<16xi32> to vector<1x1x16xi32>
          tpu.vector_store %arg14[%swap3A_403, %swap3A_404, %swap3A_405], %swap3A_408 {strides = array<i32>} : memref<2x1x1024xi32, #tpu.memory_space<vmem>>, vector<1x1x16xi32>,
          %mul3A_409 = arith.constant 128 : i32
          %mul3A_410 = arith.muli %scan3A_294, %mul3A_409 : i32
          %add3A_411 = arith.constant 64 : i32
          %add3A_412 = arith.addi %mul3A_410, %add3A_411 : i32
          %get3A_413 = arith.index_cast %add3A_412 : i32 to index
          %get3A_414 = tpu.vector_load %arg11[%get3A_413] {strides = array<i32>} : memref<1024xi32, #tpu.memory_space<vmem>>, vector<16xi32>,
          %get3A_415 = vector.shape_cast %get3A_414 : vector<16xi32> to vector<16xi32>
          %get3A_416 = arith.index_cast %add3A_412 : i32 to index
          %get3A_417 = tpu.vector_load %arg12[%get3A_416] {strides = array<i32>} : memref<1024xi32, #tpu.memory_space<vmem>>, vector<16xi32>,
          %get3A_418 = vector.shape_cast %get3A_417 : vector<16xi32> to vector<16xi32>
          %get3A_419 = arith.index_cast %add3A_412 : i32 to index
          %get3A_420 = tpu.vector_load %arg13[%get3A_419] {strides = array<i32>} : memref<1024xi32, #tpu.memory_space<vmem>>, vector<16xi32>,
          %get3A_421 = vector.shape_cast %get3A_420 : vector<16xi32> to vector<16xi32>
          %mul3A_422 = arith.constant 921600 : i32
          %mul3A_423 = vector.broadcast %mul3A_422 : i32 to vector<16xi32>
          %mul3A_424 = arith.muli %get3A_421, %mul3A_423 : vector<16xi32>
          %mul3A_425 = arith.constant 720 : i32
          %mul3A_426 = vector.broadcast %mul3A_425 : i32 to vector<16xi32>
          %mul3A_427 = arith.muli %get3A_415, %mul3A_426 : vector<16xi32>
          %add3A_428 = arith.addi %mul3A_424, %mul3A_427 : vector<16xi32>
          %add3A_429 = arith.addi %add3A_428, %get3A_418 : vector<16xi32>
          %swap3A_430 = arith.constant 1 : i32
          %swap3A_431 = arith.constant 0 : i32
          %swap3A_432 = arith.index_cast %swap3A_430 : i32 to index
          %swap3A_433 = arith.index_cast %swap3A_431 : i32 to index
          %swap3A_434 = arith.index_cast %add3A_412 : i32 to index
          %swap3A_435 = tpu.vector_load %arg14[%swap3A_432, %swap3A_433, %swap3A_434] {strides = array<i32>} : memref<2x1x1024xi32, #tpu.memory_space<vmem>>, vector<1x1x16xi32>,
          %swap3A_436 = vector.shape_cast %swap3A_435 : vector<1x1x16xi32> to vector<16xi32>
          %swap3A_437 = vector.shape_cast %add3A_429 : vector<16xi32> to vector<1x1x16xi32>
          tpu.vector_store %arg14[%swap3A_432, %swap3A_433, %swap3A_434], %swap3A_437 {strides = array<i32>} : memref<2x1x1024xi32, #tpu.memory_space<vmem>>, vector<1x1x16xi32>,
          %mul3A_438 = arith.constant 128 : i32
          %mul3A_439 = arith.muli %scan3A_294, %mul3A_438 : i32
          %add3A_440 = arith.constant 80 : i32
          %add3A_441 = arith.addi %mul3A_439, %add3A_440 : i32
          %get3A_442 = arith.index_cast %add3A_441 : i32 to index
          %get3A_443 = tpu.vector_load %arg11[%get3A_442] {strides = array<i32>} : memref<1024xi32, #tpu.memory_space<vmem>>, vector<16xi32>,
          %get3A_444 = vector.shape_cast %get3A_443 : vector<16xi32> to vector<16xi32>
          %get3A_445 = arith.index_cast %add3A_441 : i32 to index
          %get3A_446 = tpu.vector_load %arg12[%get3A_445] {strides = array<i32>} : memref<1024xi32, #tpu.memory_space<vmem>>, vector<16xi32>,
          %get3A_447 = vector.shape_cast %get3A_446 : vector<16xi32> to vector<16xi32>
          %get3A_448 = arith.index_cast %add3A_441 : i32 to index
          %get3A_449 = tpu.vector_load %arg13[%get3A_448] {strides = array<i32>} : memref<1024xi32, #tpu.memory_space<vmem>>, vector<16xi32>,
          %get3A_450 = vector.shape_cast %get3A_449 : vector<16xi32> to vector<16xi32>
          %mul3A_451 = arith.constant 921600 : i32
          %mul3A_452 = vector.broadcast %mul3A_451 : i32 to vector<16xi32>
          %mul3A_453 = arith.muli %get3A_450, %mul3A_452 : vector<16xi32>
          %mul3A_454 = arith.constant 720 : i32
          %mul3A_455 = vector.broadcast %mul3A_454 : i32 to vector<16xi32>
          %mul3A_456 = arith.muli %get3A_444, %mul3A_455 : vector<16xi32>
          %add3A_457 = arith.addi %mul3A_453, %mul3A_456 : vector<16xi32>
          %add3A_458 = arith.addi %add3A_457, %get3A_447 : vector<16xi32>
          %swap3A_459 = arith.constant 1 : i32
          %swap3A_460 = arith.constant 0 : i32
          %swap3A_461 = arith.index_cast %swap3A_459 : i32 to index
          %swap3A_462 = arith.index_cast %swap3A_460 : i32 to index
          %swap3A_463 = arith.index_cast %add3A_441 : i32 to index
          %swap3A_464 = tpu.vector_load %arg14[%swap3A_461, %swap3A_462, %swap3A_463] {strides = array<i32>} : memref<2x1x1024xi32, #tpu.memory_space<vmem>>, vector<1x1x16xi32>,
          %swap3A_465 = vector.shape_cast %swap3A_464 : vector<1x1x16xi32> to vector<16xi32>
          %swap3A_466 = vector.shape_cast %add3A_458 : vector<16xi32> to vector<1x1x16xi32>
          tpu.vector_store %arg14[%swap3A_461, %swap3A_462, %swap3A_463], %swap3A_466 {strides = array<i32>} : memref<2x1x1024xi32, #tpu.memory_space<vmem>>, vector<1x1x16xi32>,
          %mul3A_467 = arith.constant 128 : i32
          %mul3A_468 = arith.muli %scan3A_294, %mul3A_467 : i32
          %add3A_469 = arith.constant 96 : i32
          %add3A_470 = arith.addi %mul3A_468, %add3A_469 : i32
          %get3A_471 = arith.index_cast %add3A_470 : i32 to index
          %get3A_472 = tpu.vector_load %arg11[%get3A_471] {strides = array<i32>} : memref<1024xi32, #tpu.memory_space<vmem>>, vector<16xi32>,
          %get3A_473 = vector.shape_cast %get3A_472 : vector<16xi32> to vector<16xi32>
          %get3A_474 = arith.index_cast %add3A_470 : i32 to index
          %get3A_475 = tpu.vector_load %arg12[%get3A_474] {strides = array<i32>} : memref<1024xi32, #tpu.memory_space<vmem>>, vector<16xi32>,
          %get3A_476 = vector.shape_cast %get3A_475 : vector<16xi32> to vector<16xi32>
          %get3A_477 = arith.index_cast %add3A_470 : i32 to index
          %get3A_478 = tpu.vector_load %arg13[%get3A_477] {strides = array<i32>} : memref<1024xi32, #tpu.memory_space<vmem>>, vector<16xi32>,
          %get3A_479 = vector.shape_cast %get3A_478 : vector<16xi32> to vector<16xi32>
          %mul3A_480 = arith.constant 921600 : i32
          %mul3A_481 = vector.broadcast %mul3A_480 : i32 to vector<16xi32>
          %mul3A_482 = arith.muli %get3A_479, %mul3A_481 : vector<16xi32>
          %mul3A_483 = arith.constant 720 : i32
          %mul3A_484 = vector.broadcast %mul3A_483 : i32 to vector<16xi32>
          %mul3A_485 = arith.muli %get3A_473, %mul3A_484 : vector<16xi32>
          %add3A_486 = arith.addi %mul3A_482, %mul3A_485 : vector<16xi32>
          %add3A_487 = arith.addi %add3A_486, %get3A_476 : vector<16xi32>
          %swap3A_488 = arith.constant 1 : i32
          %swap3A_489 = arith.constant 0 : i32
          %swap3A_490 = arith.index_cast %swap3A_488 : i32 to index
          %swap3A_491 = arith.index_cast %swap3A_489 : i32 to index
          %swap3A_492 = arith.index_cast %add3A_470 : i32 to index
          %swap3A_493 = tpu.vector_load %arg14[%swap3A_490, %swap3A_491, %swap3A_492] {strides = array<i32>} : memref<2x1x1024xi32, #tpu.memory_space<vmem>>, vector<1x1x16xi32>,
          %swap3A_494 = vector.shape_cast %swap3A_493 : vector<1x1x16xi32> to vector<16xi32>
          %swap3A_495 = vector.shape_cast %add3A_487 : vector<16xi32> to vector<1x1x16xi32>
          tpu.vector_store %arg14[%swap3A_490, %swap3A_491, %swap3A_492], %swap3A_495 {strides = array<i32>} : memref<2x1x1024xi32, #tpu.memory_space<vmem>>, vector<1x1x16xi32>,
          %mul3A_496 = arith.constant 128 : i32
          %mul3A_497 = arith.muli %scan3A_294, %mul3A_496 : i32
          %add3A_498 = arith.constant 112 : i32
          %add3A_499 = arith.addi %mul3A_497, %add3A_498 : i32
          %get3A_500 = arith.index_cast %add3A_499 : i32 to index
          %get3A_501 = tpu.vector_load %arg11[%get3A_500] {strides = array<i32>} : memref<1024xi32, #tpu.memory_space<vmem>>, vector<16xi32>,
          %get3A_502 = vector.shape_cast %get3A_501 : vector<16xi32> to vector<16xi32>
          %get3A_503 = arith.index_cast %add3A_499 : i32 to index
          %get3A_504 = tpu.vector_load %arg12[%get3A_503] {strides = array<i32>} : memref<1024xi32, #tpu.memory_space<vmem>>, vector<16xi32>,
          %get3A_505 = vector.shape_cast %get3A_504 : vector<16xi32> to vector<16xi32>
          %get3A_506 = arith.index_cast %add3A_499 : i32 to index
          %get3A_507 = tpu.vector_load %arg13[%get3A_506] {strides = array<i32>} : memref<1024xi32, #tpu.memory_space<vmem>>, vector<16xi32>,
          %get3A_508 = vector.shape_cast %get3A_507 : vector<16xi32> to vector<16xi32>
          %mul3A_509 = arith.constant 921600 : i32
          %mul3A_510 = vector.broadcast %mul3A_509 : i32 to vector<16xi32>
          %mul3A_511 = arith.muli %get3A_508, %mul3A_510 : vector<16xi32>
          %mul3A_512 = arith.constant 720 : i32
          %mul3A_513 = vector.broadcast %mul3A_512 : i32 to vector<16xi32>
          %mul3A_514 = arith.muli %get3A_502, %mul3A_513 : vector<16xi32>
          %add3A_515 = arith.addi %mul3A_511, %mul3A_514 : vector<16xi32>
          %add3A_516 = arith.addi %add3A_515, %get3A_505 : vector<16xi32>
          %swap3A_517 = arith.constant 1 : i32
          %swap3A_518 = arith.constant 0 : i32
          %swap3A_519 = arith.index_cast %swap3A_517 : i32 to index
          %swap3A_520 = arith.index_cast %swap3A_518 : i32 to index
          %swap3A_521 = arith.index_cast %add3A_499 : i32 to index
          %swap3A_522 = tpu.vector_load %arg14[%swap3A_519, %swap3A_520, %swap3A_521] {strides = array<i32>} : memref<2x1x1024xi32, #tpu.memory_space<vmem>>, vector<1x1x16xi32>,
          %swap3A_523 = vector.shape_cast %swap3A_522 : vector<1x1x16xi32> to vector<16xi32>
          %swap3A_524 = vector.shape_cast %add3A_516 : vector<16xi32> to vector<1x1x16xi32>
          tpu.vector_store %arg14[%swap3A_519, %swap3A_520, %swap3A_521], %swap3A_524 {strides = array<i32>} : memref<2x1x1024xi32, #tpu.memory_space<vmem>>, vector<1x1x16xi32>,
        }
        %scan3A_281 = arith.constant 8 : i32
        %dma_start3A_282 = arith.constant 1 : i32
        %dma_start3A_283 = arith.constant 0 : i32
        %dma_start3A_284 = arith.constant 0 : i32
        %dma_start3A_285 = tpu.memref_slice %arg14[%dma_start3A_282, %dma_start3A_283, %dma_start3A_284] : memref<2x1x1024xi32, #tpu.memory_space<vmem>> -> memref<1x1x1024xi32, #tpu.memory_space<vmem>>
        %dma_start3A_286 = tpu.memref_squeeze %dma_start3A_285 : memref<1x1x1024xi32, #tpu.memory_space<vmem>> -> memref<1024xi32, #tpu.memory_space<vmem>>
        %dma_start3A_287 = arith.constant 0 : i32
        %dma_start3A_288 = tpu.memref_slice %arg7[%dma_start3A_287] : memref<1843328xi32, #tpu.memory_space<vmem_shared>> -> memref<1843328xi32, #tpu.memory_space<vmem_shared>>
        tpu.enqueue_indirect_dma source(%arg15 : memref<1024xi32, #tpu.memory_space<vmem>>) target(%dma_start3A_288 : memref<1843328xi32, #tpu.memory_space<vmem_shared>>) offsets(%dma_start3A_286 : memref<1024xi32, #tpu.memory_space<vmem>>) semaphore(%run_scoped3A_2 : memref<!tpu.dma_semaphore, #tpu.memory_space<semaphore_mem>>)
        %lt3A_289 = arith.constant 62 : i32
        %lt3A_290 = arith.cmpi slt, %add3A_261, %lt3A_289 : i32
        %convert_element_type3A_291 = arith.extui %lt3A_290 : i1 to i32
        %cond3A_292 = arith.constant 0 : i32
        %cond3A_293 = arith.cmpi ne, %convert_element_type3A_291, %cond3A_292 : i32
        scf.if %cond3A_293 {
          %add3A_294 = arith.constant 2 : i32
          %add3A_295 = arith.addi %add3A_261, %add3A_294 : i32
          %mul3A_296 = arith.constant 1024 : i32
          %mul3A_297 = arith.muli %add3A_295, %mul3A_296 : i32
          %add3A_298 = arith.addi %min3A_20, %mul3A_297 : i32
          %dma_start3A_299 = tpu.memref_slice %arg2[%add3A_298] : memref<2000000xi32, #tpu.memory_space<hbm>> -> memref<1024xi32, #tpu.memory_space<hbm>>
          %dma_start3A_300 = tpu.memref_slice %arg2[%add3A_298] : memref<2000000xi32, #tpu.memory_space<hbm>> -> memref<1024xi32, #tpu.memory_space<hbm>>
          tpu.enqueue_dma source(%dma_start3A_300 : memref<1024xi32, #tpu.memory_space<hbm>>) target(%arg11 : memref<1024xi32, #tpu.memory_space<vmem>>) target_semaphore(%run_scoped3A_0 : memref<!tpu.dma_semaphore, #tpu.memory_space<semaphore_mem>>)
          %dma_start3A_301 = tpu.memref_slice %arg3[%add3A_298] : memref<2000000xi32, #tpu.memory_space<hbm>> -> memref<1024xi32, #tpu.memory_space<hbm>>
          %dma_start3A_302 = tpu.memref_slice %arg3[%add3A_298] : memref<2000000xi32, #tpu.memory_space<hbm>> -> memref<1024xi32, #tpu.memory_space<hbm>>
          tpu.enqueue_dma source(%dma_start3A_302 : memref<1024xi32, #tpu.memory_space<hbm>>) target(%arg12 : memref<1024xi32, #tpu.memory_space<vmem>>) target_semaphore(%run_scoped3A_0 : memref<!tpu.dma_semaphore, #tpu.memory_space<semaphore_mem>>)
          %dma_start3A_303 = tpu.memref_slice %arg4[%add3A_298] : memref<2000000xi32, #tpu.memory_space<hbm>> -> memref<1024xi32, #tpu.memory_space<hbm>>
          %dma_start3A_304 = tpu.memref_slice %arg4[%add3A_298] : memref<2000000xi32, #tpu.memory_space<hbm>> -> memref<1024xi32, #tpu.memory_space<hbm>>
          tpu.enqueue_dma source(%dma_start3A_304 : memref<1024xi32, #tpu.memory_space<hbm>>) target(%arg13 : memref<1024xi32, #tpu.memory_space<vmem>>) target_semaphore(%run_scoped3A_0 : memref<!tpu.dma_semaphore, #tpu.memory_space<semaphore_mem>>)
        } else {
        }
      }
      %scan3A_200 = arith.constant 32 : i32
      %dma_wait3A_201 = arith.constant 0 : i32
      %dma_wait3A_202 = arith.constant 0 : i32
      %dma_wait3A_203 = arith.constant 0 : i32
      %dma_wait3A_204 = tpu.memref_slice %arg14[%dma_wait3A_201, %dma_wait3A_202, %dma_wait3A_203] : memref<2x1x1024xi32, #tpu.memory_space<vmem>> -> memref<1x1x1024xi32, #tpu.memory_space<vmem>>
      %dma_wait3A_205 = tpu.memref_squeeze %dma_wait3A_204 : memref<1x1x1024xi32, #tpu.memory_space<vmem>> -> memref<1024xi32, #tpu.memory_space<vmem>>
      %dma_wait3A_206 = arith.constant 0 : i32
      %dma_wait3A_207 = tpu.memref_slice %arg7[%dma_wait3A_206] : memref<1843328xi32, #tpu.memory_space<vmem_shared>> -> memref<1843328xi32, #tpu.memory_space<vmem_shared>>
      tpu.wait_indirect_dma semaphore(%run_scoped3A_1 : memref<!tpu.dma_semaphore, #tpu.memory_space<semaphore_mem>>) src(%arg15 : memref<1024xi32, #tpu.memory_space<vmem>>) dst(%dma_wait3A_207 : memref<1843328xi32, #tpu.memory_space<vmem_shared>>)
      %dma_wait3A_208 = arith.constant 1 : i32
      %dma_wait3A_209 = arith.constant 0 : i32
      %dma_wait3A_210 = arith.constant 0 : i32
      %dma_wait3A_211 = tpu.memref_slice %arg14[%dma_wait3A_208, %dma_wait3A_209, %dma_wait3A_210] : memref<2x1x1024xi32, #tpu.memory_space<vmem>> -> memref<1x1x1024xi32, #tpu.memory_space<vmem>>
      %dma_wait3A_212 = tpu.memref_squeeze %dma_wait3A_211 : memref<1x1x1024xi32, #tpu.memory_space<vmem>> -> memref<1024xi32, #tpu.memory_space<vmem>>
      %dma_wait3A_213 = arith.constant 0 : i32
      %dma_wait3A_214 = tpu.memref_slice %arg7[%dma_wait3A_213] : memref<1843328xi32, #tpu.memory_space<vmem_shared>> -> memref<1843328xi32, #tpu.memory_space<vmem_shared>>
      tpu.wait_indirect_dma semaphore(%run_scoped3A_2 : memref<!tpu.dma_semaphore, #tpu.memory_space<semaphore_mem>>) src(%arg15 : memref<1024xi32, #tpu.memory_space<vmem>>) dst(%dma_wait3A_214 : memref<1843328xi32, #tpu.memory_space<vmem_shared>>)
      %barrier3A_215 = arith.constant 0 : index
      tpu.barrier barrier_id(%barrier3A_215)
      %eq3A = arith.constant 0 : i32
      %eq3A_216 = arith.cmpi eq, %arg0, %eq3A : i32
      %convert_element_type3A = arith.extui %eq3A_216 : i1 to i32
      %cond3A = arith.constant 0 : i32
      %cond3A_217 = arith.cmpi ne, %convert_element_type3A, %cond3A : i32
      scf.if %cond3A_217 {
        "tpu.region"() ({
          %run_scoped3A_223 = tpu.sem_alloc : memref<!tpu.dma_semaphore, #tpu.memory_space<semaphore_mem>>
          %dma_start3A_224 = tpu.memref_slice %arg5[%mul3A_35] : memref<1843200xi32, #tpu.memory_space<hbm>> -> memref<115200xi32, #tpu.memory_space<hbm>>
          %dma_start3A_225 = tpu.memref_slice %arg7[%mul3A_35] : memref<1843328xi32, #tpu.memory_space<vmem_shared>> -> memref<115200xi32, #tpu.memory_space<vmem_shared>>
          tpu.enqueue_dma source(%dma_start3A_225 : memref<115200xi32, #tpu.memory_space<vmem_shared>>) target(%dma_start3A_224 : memref<115200xi32, #tpu.memory_space<hbm>>) target_semaphore(%run_scoped3A_223 : memref<!tpu.dma_semaphore, #tpu.memory_space<semaphore_mem>>)
          %dma_wait3A_226 = tpu.memref_slice %arg5[%mul3A_35] : memref<1843200xi32, #tpu.memory_space<hbm>> -> memref<115200xi32, #tpu.memory_space<hbm>>
          %dma_wait3A_227 = tpu.memref_slice %arg7[%mul3A_35] : memref<1843328xi32, #tpu.memory_space<vmem_shared>> -> memref<115200xi32, #tpu.memory_space<vmem_shared>>
          tpu.wait_dma2 semaphore(%run_scoped3A_223 : memref<!tpu.dma_semaphore, #tpu.memory_space<semaphore_mem>>) src(%dma_wait3A_227 : memref<115200xi32, #tpu.memory_space<vmem_shared>>) dst(%dma_wait3A_226 : memref<115200xi32, #tpu.memory_space<hbm>>)
          tpu.yield
        }) : () -> ()
      } else {
      }
      %eq3A_218 = arith.constant 1 : i32
      %eq3A_219 = arith.cmpi eq, %arg0, %eq3A_218 : i32
      %convert_element_type3A_220 = arith.extui %eq3A_219 : i1 to i32
      %cond3A_221 = arith.constant 0 : i32
      %cond3A_222 = arith.cmpi ne, %convert_element_type3A_220, %cond3A_221 : i32
      scf.if %cond3A_222 {
        "tpu.region"() ({
          %run_scoped3A_223 = tpu.sem_alloc : memref<!tpu.dma_semaphore, #tpu.memory_space<semaphore_mem>>
          %dma_start3A_224 = tpu.memref_slice %arg6[%mul3A_35] : memref<1843200xi32, #tpu.memory_space<hbm>> -> memref<115200xi32, #tpu.memory_space<hbm>>
          %dma_start3A_225 = tpu.memref_slice %arg7[%mul3A_35] : memref<1843328xi32, #tpu.memory_space<vmem_shared>> -> memref<115200xi32, #tpu.memory_space<vmem_shared>>
          tpu.enqueue_dma source(%dma_start3A_225 : memref<115200xi32, #tpu.memory_space<vmem_shared>>) target(%dma_start3A_224 : memref<115200xi32, #tpu.memory_space<hbm>>) target_semaphore(%run_scoped3A_223 : memref<!tpu.dma_semaphore, #tpu.memory_space<semaphore_mem>>)
          %dma_wait3A_226 = tpu.memref_slice %arg6[%mul3A_35] : memref<1843200xi32, #tpu.memory_space<hbm>> -> memref<115200xi32, #tpu.memory_space<hbm>>
          %dma_wait3A_227 = tpu.memref_slice %arg7[%mul3A_35] : memref<1843328xi32, #tpu.memory_space<vmem_shared>> -> memref<115200xi32, #tpu.memory_space<vmem_shared>>
          tpu.wait_dma2 semaphore(%run_scoped3A_223 : memref<!tpu.dma_semaphore, #tpu.memory_space<semaphore_mem>>) src(%dma_wait3A_227 : memref<115200xi32, #tpu.memory_space<vmem_shared>>) dst(%dma_wait3A_226 : memref<115200xi32, #tpu.memory_space<hbm>>)
          tpu.yield
        }) : () -> ()
      } else {
      }
      tpu.yield
    }) : () -> ()
    return
  }
}

module attributes {stable_mosaic.version = 14 : i64} {
  func.func @body(%arg0: i32, %arg1: memref<720x128xi32, #tpu.memory_space<vmem>>, %arg2: memref<720x128xi32, #tpu.memory_space<vmem>>, %arg3: memref<720x128xi32, #tpu.memory_space<vmem>>, %arg4: memref<720x128xi32, #tpu.memory_space<vmem>>, %arg5: memref<720x128xi8, #tpu.memory_space<vmem>>) attributes {dimension_semantics = [#tpu.dimension_semantics<arbitrary>], iteration_bounds = array<i64: 10>, scalar_prefetch = 0 : i64, scratch_operands = 0 : i64, tpu.core_type = #tpu.core_type<tc>, window_params = [{transform_indices = @transform_0, window_bounds = array<i64: 720, 128>}, {transform_indices = @transform_1, window_bounds = array<i64: 720, 128>}, {transform_indices = @transform_2, window_bounds = array<i64: 720, 128>}, {transform_indices = @transform_3, window_bounds = array<i64: 720, 128>}, {transform_indices = @transform_4, window_bounds = array<i64: 720, 128>}]} {
    %get3A = arith.constant 0 : index
    %get3A_0 = arith.constant 0 : index
    %get3A_1 = vector.load %arg1[%get3A, %get3A_0] : memref<720x128xi32, #tpu.memory_space<vmem>>, vector<720x128xi32>
    %ne3A = arith.constant 0 : i32
    %ne3A_2 = vector.broadcast %ne3A : i32 to vector<720x128xi32>
    %ne3A_3 = arith.cmpi ne, %get3A_1, %ne3A_2 : vector<720x128xi32>
    %get3A_4 = arith.constant 0 : index
    %get3A_5 = arith.constant 0 : index
    %get3A_6 = vector.load %arg3[%get3A_4, %get3A_5] : memref<720x128xi32, #tpu.memory_space<vmem>>, vector<720x128xi32>
    %ne3A_7 = arith.constant 0 : i32
    %ne3A_8 = vector.broadcast %ne3A_7 : i32 to vector<720x128xi32>
    %ne3A_9 = arith.cmpi ne, %get3A_6, %ne3A_8 : vector<720x128xi32>
    %or3A = arith.ori %ne3A_3, %ne3A_9 : vector<720x128xi1>
    %get3A_10 = arith.constant 0 : index
    %get3A_11 = arith.constant 0 : index
    %get3A_12 = vector.load %arg2[%get3A_10, %get3A_11] : memref<720x128xi32, #tpu.memory_space<vmem>>, vector<720x128xi32>
    %ne3A_13 = arith.constant 0 : i32
    %ne3A_14 = vector.broadcast %ne3A_13 : i32 to vector<720x128xi32>
    %ne3A_15 = arith.cmpi ne, %get3A_12, %ne3A_14 : vector<720x128xi32>
    %get3A_16 = arith.constant 0 : index
    %get3A_17 = arith.constant 0 : index
    %get3A_18 = vector.load %arg4[%get3A_16, %get3A_17] : memref<720x128xi32, #tpu.memory_space<vmem>>, vector<720x128xi32>
    %ne3A_19 = arith.constant 0 : i32
    %ne3A_20 = vector.broadcast %ne3A_19 : i32 to vector<720x128xi32>
    %ne3A_21 = arith.cmpi ne, %get3A_18, %ne3A_20 : vector<720x128xi32>
    %or3A_22 = arith.ori %ne3A_15, %ne3A_21 : vector<720x128xi1>
    %jit3A = arith.constant 0 : i32
    %jit3A_23 = arith.constant 127 : i32
    %broadcast_in_dim3A = vector.broadcast %jit3A : i32 to vector<720x128xi32>
    %broadcast_in_dim3A_24 = vector.broadcast %jit3A_23 : i32 to vector<720x128xi32>
    %select_n3A = arith.select %or3A, %broadcast_in_dim3A, %broadcast_in_dim3A_24 : vector<720x128xi1>, vector<720x128xi32>
    %jit3A_25 = arith.constant 255 : i32
    %broadcast_in_dim3A_26 = vector.broadcast %jit3A_25 : i32 to vector<720x128xi32>
    %select_n3A_27 = arith.select %or3A_22, %broadcast_in_dim3A_26, %select_n3A : vector<720x128xi1>, vector<720x128xi32>
    %convert_element_type3A = arith.trunci %select_n3A_27 : vector<720x128xi32> to vector<720x128xi8>
    %swap3A = arith.constant 0 : index
    %swap3A_28 = arith.constant 0 : index
    %swap3A_29 = vector.load %arg5[%swap3A, %swap3A_28] : memref<720x128xi8, #tpu.memory_space<vmem>>, vector<720x128xi8>
    tpu.vector_store %arg5[%swap3A, %swap3A_28], %convert_element_type3A {strides = array<i32>} : memref<720x128xi8, #tpu.memory_space<vmem>>, vector<720x128xi8>,
    return
  }
  func.func @transform_0(%arg0: i32) -> (i32, i32) {
    %c0_i32 = arith.constant 0 : i32
    %c0_i32_0 = arith.constant 0 : i32
    return %arg0, %c0_i32 : i32, i32
  }
  func.func @transform_1(%arg0: i32) -> (i32, i32) {
    %add3A = arith.constant 10 : i32
    %add3A_0 = arith.addi %arg0, %add3A : i32
    %c0_i32 = arith.constant 0 : i32
    %c0_i32_1 = arith.constant 0 : i32
    return %add3A_0, %c0_i32 : i32, i32
  }
  func.func @transform_2(%arg0: i32) -> (i32, i32) {
    %c0_i32 = arith.constant 0 : i32
    %c0_i32_0 = arith.constant 0 : i32
    return %arg0, %c0_i32 : i32, i32
  }
  func.func @transform_3(%arg0: i32) -> (i32, i32) {
    %add3A = arith.constant 10 : i32
    %add3A_0 = arith.addi %arg0, %add3A : i32
    %c0_i32 = arith.constant 0 : i32
    %c0_i32_1 = arith.constant 0 : i32
    return %add3A_0, %c0_i32 : i32, i32
  }
  func.func @transform_4(%arg0: i32) -> (i32, i32) {
    %c0_i32 = arith.constant 0 : i32
    %c0_i32_0 = arith.constant 0 : i32
    return %arg0, %c0_i32 : i32, i32
  }
}

</mosaic_0001>

<sc_bundles>
// kernel: kernel.4.cloned.1.call-start
scs
__scs_entry_jumppad:
0x0: {  	(pc) =	sbr.rel $0x88, $3  }
0x1: {  	(tag) =	ssettag $0x0;
	lr =	simm.s32 $0x1  }
0x2: {  	[smem:$0x3F9E] =	sst lr;
	_ =	strace $0xD0000000  }
0x3: {  	_ = 	snop  }
0x4: {  	_ = 	snop  }
0x5: {  	_ = 	snop  }
0x6: {  	_ = 	snop  }
0x7: {  	_ = 	snop  }
__scs_overlays_trampoline_lowered:
0x8: {  	[smem:$0x3FAD] =	sst s0  }
0x9: {  	[smem:$0x3FAE] =	sst s1  }
0xa: {  	[smem:$0x3FAF] =	sst s2  }
0xb: {  	[smem:$0x3FB0] =	sst s3  }
0xc: {  	[smem:$0x3FB1] =	sst s4  }
0xd: {  	[smem:$0x3FB2] =	sst s5  }
0xe: {  	[smem:$0x3FB3] =	sst s6  }
0xf: {  	[smem:$0x3FB4] =	sst s7  }
0x10: {  	[smem:$0x3FB5] =	sst s8  }
0x11: {  	[smem:$0x3FB6] =	sst s9;
	s0 =	simm.s32 @!p0 $0x0  }
0x12: {  	s1 =	sld [smem:$0x3F9C];
	s0 =	simm.s32 @p0 $0x1  }
0x13: {  	[smem:$0x3FB7] =	sst s0;
	s0 =	simm.s32 @!p1 $0x0  }
0x14: {  	s2 =	sld [smem:$0x3F9B];
	s0 =	simm.s32 @p1 $0x1  }
0x15: {  	[smem:$0x3FB8] =	sst s0;
	s0 =	simm.s32 @!p2 $0x0  }
0x16: {  	s3 =	sld [smem:$0x3FDB];
	s0 =	simm.s32 @p2 $0x1  }
0x17: {  	s4 =	simm.s32 $0x1BF5;
	[smem:$0x3FBA] =	sst s0  }
0x18: {  	s0 =	sld [smem:$0x3F9D];
	_ =	swait.ge [sflag:s4], $0x0  }
0x19: {  	s7 =	sld [smem:$0x3F9E]  }
0x1a: {  	s8 =	sadd.s32 $0xFFFFE003, lr  }
0x1b: {  	s9 =	sadd.s32 $0xFFFFFEF7, lr;
	s5 =	simm.s32 $0xFFFFFFFF;
	p2 =	slt.u32 s8, $0xFFFFF086  }
0x1c: {  	p1 =	slt.u32 s9, $0xF7A;
	s5 =	simm.s32 @!p2 $0x0  }
0x1d: {  	s5 =	simm.s32 @p1 $0x1;
	p0 =	seq.s32 s7, s2  }
0x1e: {  	s7 =	smul.u32 @!p0 $0xF7A, s2;
	p2 =	seq.s32 @!p0 s5, $0x0  }
0x1f: {  	s9 =	smul.u32 $0xF7A, s1;
	s8 =	simm.s32 @!p0 $0x1BF5;
	p2 =	por !p2, p0  }
0x20: {  	[sflag:s8] =	ssyncset.s32 @!p0 $0xFFFFF086;
	s6 =	sadd.s32 @!p0 s3, s7;
	s7 =	simm.s32 @!p0 $0x108  }
0x21: {  	s3 =	sadd.s32 s3, s9;
	s6 =	sadd.s32 @!p0 $0x88, s6;
	s7 =	simm.s32 @p2 $0x1082  }
0x22: {  	[simem:s7], [sflag:s8] =	dma.local @!p0 [hbm:s6], $0xF7A  }
0x23: {  	s9 =	sor.u32 $0xD0000000, s2;
	s6 =	simm.s32 $0x108;
	_ =	swait.ge @!p0 [sflag:s8], $0x0  }
0x24: {  	s3 =	sadd.s32 $0x88, s3;
	s6 =	simm.s32 @!p1 $0x1082;
	[sflag:s4] =	ssyncset.s32 $0xFFFFF086  }
0x25: {  	[simem:s6], [sflag:s4] =	dma.local [hbm:s3], $0xF7A  }
0x26: {  	[smem:$0x3F9E] =	sst s1;
	(tag) =	ssettag s2;
	_ =	strace s9  }
0x27: {  	s1 =	sld [smem:$0x3FAE]  }
0x28: {  	s2 =	sld [smem:$0x3FAF]  }
0x29: {  	s4 =	sld [smem:$0x3FB1]  }
0x2a: {  	p0 =	seq.s32 s5, $0x0;
	s5 =	sld [smem:$0x3FB2]  }
0x2b: {  	s6 =	sld [smem:$0x3FB3]  }
0x2c: {  	s7 =	sld [smem:$0x3FB4]  }
0x2d: {  	s3 =	simm.s32 $0x108;
	s8 =	sld [smem:$0x3FB5]  }
0x2e: {  	s3 =	simm.s32 @!p0 $0x1082;
	s9 =	sld [smem:$0x3FB6]  }
0x2f: {  	lr =	sadd.s32 s0, s3;
	s0 =	sld [smem:$0x3FAD]  }
0x30: {  	s3 =	sld [smem:$0x3FB0]  }
0x31: {  	[smem:$0x3FB9] =	sst s10  }
0x32: {  	s10 =	sld [smem:$0x3FB7];
	_ =	sdelay $0x3  }
0x33: {  	p0 =	seq.s32 s10, $0x1;
	s10 =	sld [smem:$0x3FB9];
	_ =	sdelay $0x3  }
0x34: {  	[smem:$0x3FB9] =	sst s10  }
0x35: {  	s10 =	sld [smem:$0x3FB8];
	_ =	sdelay $0x3  }
0x36: {  	p1 =	seq.s32 s10, $0x1;
	s10 =	sld [smem:$0x3FB9];
	_ =	sdelay $0x3  }
0x37: {  	[smem:$0x3FB9] =	sst s10  }
0x38: {  	s10 =	sld [smem:$0x3FBA]  }
0x39: {  	_ = 	snop;
	(pc) =	sbr.ind lr, $3  }
0x3a: {  	_ = 	snop  }
0x3b: {  	_ = 	snop  }
0x3c: {  	p2 =	seq.s32 s10, $0x1;
	s10 =	sld [smem:$0x3FB9]  }
0x3d: {  	_ =	shalt  }
0x3e: {  	_ =	shalt  }
0x3f: {  	_ =	shalt  }
0x40: {  	_ =	shalt  }
0x41: {  	_ =	shalt  }
0x42: {  	_ =	shalt  }
0x43: {  	_ =	shalt  }
0x44: {  	_ =	shalt  }
0x45: {  	_ =	shalt  }
0x46: {  	_ =	shalt  }
0x47: {  	_ =	shalt  }
0x48: {  	_ =	shalt  }
0x49: {  	_ =	shalt  }
0x4a: {  	_ =	shalt  }
0x4b: {  	_ =	shalt  }
0x4c: {  	_ =	shalt  }
0x4d: {  	_ =	shalt  }
0x4e: {  	_ =	shalt  }
0x4f: {  	_ =	shalt  }
0x50: {  	_ =	shalt  }
0x51: {  	_ =	shalt  }
0x52: {  	_ =	shalt  }
0x53: {  	_ =	shalt  }
0x54: {  	_ =	shalt  }
0x55: {  	_ =	shalt  }
0x56: {  	_ =	shalt  }
0x57: {  	_ =	shalt  }
0x58: {  	_ =	shalt  }
0x59: {  	_ =	shalt  }
0x5a: {  	_ =	shalt  }
0x5b: {  	_ =	shalt  }
0x5c: {  	_ =	shalt  }
0x5d: {  	_ =	shalt  }
0x5e: {  	_ =	shalt  }
0x5f: {  	_ =	shalt  }
0x60: {  	_ =	shalt  }
0x61: {  	_ =	shalt  }
0x62: {  	_ =	shalt  }
0x63: {  	_ =	shalt  }
0x64: {  	_ =	shalt  }
0x65: {  	_ =	shalt  }
0x66: {  	_ =	shalt  }
0x67: {  	_ =	shalt  }
0x68: {  	_ =	shalt  }
0x69: {  	_ =	shalt  }
0x6a: {  	_ =	shalt  }
0x6b: {  	_ =	shalt  }
0x6c: {  	_ =	shalt  }
0x6d: {  	_ =	shalt  }
0x6e: {  	_ =	shalt  }
0x6f: {  	_ =	shalt  }
0x70: {  	_ =	shalt  }
0x71: {  	_ =	shalt  }
0x72: {  	_ =	shalt  }
0x73: {  	_ =	shalt  }
0x74: {  	_ =	shalt  }
0x75: {  	_ =	shalt  }
0x76: {  	_ =	shalt  }
0x77: {  	_ =	shalt  }
0x78: {  	_ =	shalt  }
0x79: {  	_ =	shalt  }
0x7a: {  	_ =	shalt  }
0x7b: {  	_ =	shalt  }
0x7c: {  	_ =	shalt  }
0x7d: {  	_ =	shalt  }
0x7e: {  	_ =	shalt  }
0x7f: {  	_ =	shalt  }
0x80: {  	_ =	shalt  }
0x81: {  	_ =	shalt  }
0x82: {  	_ =	shalt  }
0x83: {  	_ =	shalt  }
0x84: {  	_ =	shalt  }
0x85: {  	_ =	shalt  }
0x86: {  	_ =	shalt  }
0x87: {  	_ =	shalt  }
.Lfunc_end0:
.L_simem_size_0:
called_computation_lowered:
.L_overlay_start_0:
0x88: {  	s2 =	sld [smem:$0x3FD9]  }
0x89: {  	s3 =	sld [smem:$0x3FFE];
	_ =	sdelay $0x1  }
0x8a: {  	s1 =	srdreg.scid  }
0x8b: {  	s0 =	sand.u32 $0x1, s1  }
0x8c: {  	s17 =	sshll.u32 s0, $0xA;
	s2 =	sadd.s32 s3, s2  }
0x8d: {  	s2 =	sadd.s32 s2, s17  }
0x8e: {  	[smem:$0x3FC5] =	sst s2  }
0x8f: {  	_ = 	snop  }
0x90: {  	s2 =	sld [smem:$0x3FC9]  }
0x91: {  	s18 =	sld [smem:$0x3FC8]  }
0x92: {  	s4 =	sld [smem:$0x3FC7];
	(tm) =	ssettm $0x1  }
0x93: {  	s5 =	sld [smem:$0x3FFB];
	_ =	sdelay $0x3  }
0x94: {  	_ =	strace s5  }
0x95: {  	s5 =	sld [smem:$0x3FFC];
	_ =	sdelay $0x3  }
0x96: {  	_ =	strace s5  }
0x97: {  	s5 =	sld [smem:$0x3FFD];
	_ =	sdelay $0x3  }
0x98: {  	_ =	strace s5  }
0x99: {  	_ =	strace $0x8FFFFFFF  }
0x9a: {  	s19 =	sld [smem:$0x3FDB];
	_ =	sdelay $0x1  }
0x9b: {  	s6 =	simm.s32 $_scs_section_size  }
0x9c: {  	s7 =	simm.s32 $_size__tile_overlayer_lowered;
	s8 =	simm.s32 $_tile_overlayer_lowered  }
0x9d: {  	s22 =	simm.s32 $0x1BFF;
	s21 =	sshll.u32 s8, $0x1;
	s5 =	sadd.s32 s6, s19  }
0x9e: {  	s9 =	simm.s32 $0x0;
	s20 =	sshll.u32 s7, $0x1;
	s7 =	sadd.s32 s21, s5  }
0x9f: {  	[timem:s9], [sflag:s22] =	dma.local [hbm:s7], s20  }
0xa0: {  	_ =	swait.ge [sflag:s22], s20  }
0xa1: {  	s6 =	ssub.s32 $0x0, s20;
	[sflag:s22] =	ssyncset.done $0x0  }
0xa2: {  	[sflag:s22] =	ssyncadd.s32 s6;
	_ =	sdelay $0x1  }
0xa3: {  	s23 =	simm.s32 $0x1B8B  }
0xa4: {  	_ =	swait.ge [sflag:s23], $0x1  }
0xa5: {  	[sflag:s23] =	ssyncset.done $0x0  }
0xa6: {  	s25 =	simm.s32 $0x1B8E;
	s24 =	sld [smem:$0x3FFE];
	[sflag:s23] =	ssyncadd.s32 $0xFFFFFFFF  }
0xa7: {  	s26 =	simm.s32 $execute0_lowered;
	[smem:$0x3FD2] =	sst s25  }
0xa8: {  	s7 =	sshll.u32 s26, $0x1;
	_ =	strace $0x80000046;
	[dreg:$0x1] =	wrdreg $0xFFFFFFFF  }
0xa9: {  	s28 =	simm.s32 $_size_execute0_lowered;
	s5 =	sadd.s32 s5, s7;
	[dreg:$0x0] =	wrdreg $0x0  }
0xaa: {  	s7 =	sshll.u32 s28, $0x1;
	[dreg:$0x2] =	wrdreg s5  }
0xab: {  	[dreg:$0x3] =	wrdreg s7  }
0xac: {  	[dreg:$0x4] =	wrdreg $0xC0  }
0xad: {  	_ =	task [dreg:s9], $0x5FFFF  }
0xae: {  	[dreg:$0x1] =	wrdreg $0xFFFFFFFF  }
0xaf: {  	[dreg:$0x0] =	wrdreg $0x60  }
0xb0: {  	[dreg:$0x2] =	wrdreg s2  }
0xb1: {  	[dreg:$0x3] =	wrdreg s18  }
0xb2: {  	[dreg:$0x4] =	wrdreg s4  }
0xb3: {  	[dreg:$0x5] =	wrdreg s24  }
0xb4: {  	[dreg:$0x6] =	wrdreg $0x0  }
0xb5: {  	[dreg:$0x7] =	wrdreg $0x9  }
0xb6: {  	_ =	task.clear_ibuf [dreg:s9], $0x8FFFF;
	_ =	strace $0x90000046  }
0xb7: {  	s29 =	simm.s32 $0x9;
	_ =	strace $0x80000048  }
0xb8: {  	_ =	swait.ge [sflag:s29], $0x1  }
0xb9: {  	[sflag:s29] =	ssyncadd.s32 $0xFFFFFFFF  }
0xba: {  	_ =	strace $0x90000048  }
0xbb: {  	_ =	sfence  }
0xbc: {  	s30 =	sld [smem:$0x0];
	_ =	sdelay $0x2  }
0xbd: {  	s31 =	sshll.u32 s1, $0xD;
	s1 =	sshrl.u32 s1, $0x2  }
0xbe: {  	s3 =	sand.u32 $0x4000, s31;
	s1 =	sadd.s32 s1, s30  }
0xbf: {  	s0 =	sor.u32 s3, s0;
	s1 =	sshll.u32 s1, $0x11  }
0xc0: {  	s0 =	sor.u32 s1, s0  }
0xc1: {  	s0 =	sadd.s32 $0x8F2B, s0  }
0xc2: {  	[sflag:s0] =	ssyncadd.remote.s32 $0x1  }
0xc3: {  	_ =	sfence.sel $0xFFFF  }
0xc4: {  	[dreg:$0x0] =	wrdreg $0xFFFFFFFF;
	(pc) =	sbr.abs _section_cstart, $3  }
0xc5: {  	[dreg:$0x1] =	wrdreg $0xFFFFFFFF  }
0xc6: {  	_ =	task.clear_ibuf [dreg:s9], $0x2FFFF;
	_ =	strace $0x9FFFFFFF  }
0xc7: {  	(tm) =	ssettm $0x7FFFFFFF  }
tec
execute0_lowered:
.L_overlay_start_1:
0x0: {  	(tag) =	ssettag $0x1  }
0x1: {  	s1 =	rddreg [dreg:$0x0]  }
0x2: {  	s2 =	rddreg [dreg:$0x1]  }
0x3: {  	s3 =	rddreg [dreg:$0x2];
	s8 =	stileid.u32  }
0x4: {  	s0 =	srdreg.scid;
	s4 =	rddreg [dreg:$0x3]  }
0x5: {  	s0 =	sand.u32 $0x1, s0;
	s6 =	sshll.u32 s8, $0x1;
	s8 =	smul.u32 $0x1C200, s8  }
0x6: {  	s5 =	rddreg [dreg:$0x4];
	s7 =	sor.u32 s0, s6;
	s6 =	simm.s32 $0x0  }
0x7: {  	s9 =	ssub.s32 $0x2, s0;
	s7 =	smul.u32 $0xF420, s7;
	s10 =	sshrl.u32 s8, $0x3  }
0x8: {  	[smem:$0x7FF] =	sst s6;
	s11 =	sshrl.u32 s9, $0x1;
	s4 =	sadd.s32 s10, s4  }
0x9: {  	_ =	strace $0x80000047;
	s9 =	ssub.s32 s9, s11;
	s18 =	sadd.s32 $0x39000, s4  }
0xa: {  	s7 =	smin.u32 s7, $0x1D8480;
	s19 =	sadd.s32 $0xC00, s4;
	[dreg:$0x13] =	wrdreg s18  }
0xb: {  	s20 =	smax.u32 s9, $0x1;
	s12 =	sshrl.u32 s7, $0x3;
	[dreg:$0x14] =	wrdreg s19  }
0xc: {  	[dreg:$0x15] =	wrdreg s20;
	s23 =	sadd.s32 s1, s12  }
0xd: {  	s24 =	sadd.s32 s2, s12;
	[dreg:$0x6] =	wrdreg s23  }
0xe: {  	s25 =	sadd.s32 s3, s12;
	s26 =	sadd.s32 $0x80, s12;
	[dreg:$0x7] =	wrdreg s24  }
0xf: {  	[dreg:$0x8] =	wrdreg s25;
	s29 =	sadd.s32 s1, s26  }
0x10: {  	s30 =	sadd.s32 s2, s26;
	[dreg:$0x9] =	wrdreg s29  }
0x11: {  	s12 =	sadd.s32 s8, s5;
	s31 =	sadd.s32 s3, s26;
	[dreg:$0xa] =	wrdreg s30  }
0x12: {  	s10 =	sadd.s32 $0x1680, s12;
	[dreg:$0xb] =	wrdreg s31  }
0x13: {  	s11 =	sadd.s32 $0x2D00, s12;
	[dreg:$0xc] =	wrdreg s10  }
0x14: {  	s13 =	sadd.s32 $0x4380, s12;
	[dreg:$0xd] =	wrdreg s11  }
0x15: {  	s28 =	simm.s32 $0x0;
	s14 =	sadd.s32 $0x5A00, s12;
	[dreg:$0xe] =	wrdreg s13  }
0x16: {  	p0 =	sne.s32 s0, $0x0;
	s15 =	sadd.s32 $0x7080, s12;
	[dreg:$0xf] =	wrdreg s14  }
0x17: {  	s21 =	sadd.s32 $0x800, s7;
	s16 =	sadd.s32 $0x8700, s12;
	[dreg:$0x10] =	wrdreg s15  }
0x18: {  	s22 =	sadd.s32 $0xC00, s7;
	s17 =	sadd.s32 $0x9D80, s12;
	[dreg:$0x11] =	wrdreg s16  }
0x19: {  	s18 =	simm.s32 $0x1;
	s23 =	sadd.s32 $0xB400, s12;
	[dreg:$0x12] =	wrdreg s17  }
0x1a: {  	s19 =	simm.s32 $0x400;
	s24 =	sadd.s32 $0xCA80, s12;
	[dreg:$0x16] =	wrdreg s23  }
0x1b: {  	s20 =	simm.s32 $0x1DA08;
	s25 =	sadd.s32 $0xE100, s12;
	[dreg:$0x17] =	wrdreg s24  }
0x1c: {  	s26 =	sadd.s32 $0xF780, s12;
	s7 =	sadd.s32 $0x15180, s12;
	[dreg:$0x18] =	wrdreg s25  }
0x1d: {  	s8 =	sadd.s32 $0x16800, s12;
	s9 =	sadd.s32 $0x17E80, s12;
	[dreg:$0x19] =	wrdreg s26  }
0x1e: {  	s29 =	sadd.s32 $0x10E00, s12;
	s30 =	sadd.s32 $0x12480, s12;
	s31 =	sadd.s32 $0x13B00, s12  }
.Ltmp0:
0x1f: {  	s10 =	sadd.s32 $0x19500, s12;
	s11 =	sadd.s32 $0x1AB80, s12;
	(pc) =	sbr.rel .LBB2_1-.Ltmp0, $4  }
0x20: {  	s13 =	simm.s32 $0x1CE08;
	s14 =	simm.s32 $0x1D208;
	s15 =	simm.s32 $0x1D608  }
0x21: {  	s16 =	simm.s32 $0x1E608;
	s17 =	simm.s32 $0x3;
	[dreg:$0x1a] =	wrdreg s29  }
0x22: {  	s23 =	simm.s32 $0x1E208;
	s24 =	simm.s32 $0x2;
	[dreg:$0x1b] =	wrdreg s30  }
0x23: {  	v0 =	vimm.s32 $0x0;
	v1 =	vimm.s32 $0x1;
	s25 =	simm.s32 $0x1DE08;
	s26 =	simm.s32 $0x4;
	[dreg:$0x1c] =	wrdreg s31  }
.LBB2_12:
0x24: {  	_ =	swait.ge [sflag:s17], $0x400  }
0x25: {  	[sflag:s17] =	ssyncset.done $0x0  }
0x26: {  	[sflag:s17] =	ssyncadd.s32 $0xFFFFFC00  }
0x27: {  	_ =	swait.ge [sflag:s26], $0x400  }
0x28: {  	[sflag:s26] =	ssyncset.done $0x0  }
0x29: {  	s30 =	stileid.u32;
	[sflag:s26] =	ssyncadd.s32 $0xFFFFFC00  }
0x2a: {  	s0 =	sshll.u32 @p0 s30, $0x6;
	[bflag:$0x0] =	sbarrier.arrive $0xFFFF  }
0x2b: {  	s4 =	sshrl.u32 @p0 s12, $0x3;
	s0 =	sor.u32 @p0 $0x1C05, s0;
	s29 =	rddreg [dreg:$0x13]  }
0x2c: {  	[hbm:s29], [sflag:s0] =	dma.local @p0 [spmem:s4], $0x3840  }
0x2d: {  	s0 =	simm.s32 @p0 $0x5  }
0x2e: {  	_ =	swait.ge @p0 [sflag:s0], $0x3840  }
0x2f: {  	s4 =	sshll.u32 @!p0 s30, $0x6;
	[sflag:s0] =	ssyncset.done @p0 $0x0;
	s30 =	rddreg [dreg:$0x14]  }
0x30: {  	[sflag:s0] =	ssyncadd.s32 @p0 $0xFFFFC7C0;
	s0 =	sor.u32 @!p0 $0x1C06, s4;
	s4 =	sshrl.u32 @!p0 s12, $0x3  }
0x31: {  	[hbm:s30], [sflag:s0] =	dma.local @!p0 [spmem:s4], $0x3840  }
0x32: {  	s0 =	simm.s32 @!p0 $0x6  }
0x33: {  	_ =	swait.ge @!p0 [sflag:s0], $0x3840  }
0x34: {  	s28 =	sadd.s32 $0x1, s28;
	s31 =	rddreg [dreg:$0x15]  }
0x35: {  	p1 =	sne.s32 s28, s31  }
.Ltmp1:
0x36: {  	_ = 	snop;
	(pc) =	sbr.rel @!p1 .LBB2_13-.Ltmp1, $3  }
0x37: {  	_ =	sdelay $0x1  }
0x38: {  	[sflag:s0] =	ssyncset.done @!p0 $0x0  }
0x39: {  	s29 =	stileid.u32;
	[sflag:s0] =	ssyncadd.s32 @!p0 $0xFFFFC7C0  }
.LBB2_1:
0x3a: {  	s4 =	simm.s32 $0x0  }
.LBB2_2:
0x3b: {  	p1 =	sne.s32 s4, $0x59C0  }
.Ltmp2:
0x3c: {  	_ = 	snop;
	(pc) =	sbr.rel @p1 .LBB2_2-.Ltmp2, $3  }
0x3d: {  	_ =	sdelay $0x1  }
0x3e: {  	s29 =	sshra.s32 s4, $0x2  }
0x3f: {  	s4 =	sadd.s32 $0x40, s4;
	[tilespmem:s29+$0x1E608] =	vst v0  }
0x40: {  	s4 =	simm.s32 $0x40;
	s29 =	simm.s32 $0x0  }
.LBB2_4:
0x41: {  	p1 =	sne.s32 s4, $0xFC0;
	[tilespmem:s29+$0x1E208] =	vst v1;
	s29 =	smov.u32 s4;
	s4 =	sadd.s32 $0x40, s4  }
.Ltmp3:
0x42: {  	(pc) =	sbr.rel @p1 .LBB2_4-.Ltmp3, $2  }
0x43: {  	_ =	sdelay $0x2  }
0x44: {  	s29 =	sshra.s32 s29, $0x2  }
0x45: {  	[tilespmem:s29+$0x1E208] =	vst v1;
	s29 =	simm.s32 $0x0;
	s0 =	rddreg [dreg:$0x6];
	s4 =	simm.s32 $0x1C208  }
0x46: {  	[tilespmem:s4], [sflag:$0x1] =	stream.linear.gather [hbm4b:s0+s29], $0x400, $0x38;
	[tilespmem:$0x1FC88] =	vst v63  }
0x47: {  	s30 =	rddreg [dreg:$0x7];
	s31 =	simm.s32 $0x1C608  }
0x48: {  	[tilespmem:s31], [sflag:$0x1] =	stream.linear.gather [hbm4b:s30+s29], $0x400, $0x38;
	[tilespmem:$0x1FC88] =	vst v63  }
0x49: {  	s30 =	rddreg [dreg:$0x8];
	s31 =	simm.s32 $0x1CA08  }
0x4a: {  	[tilespmem:s31], [sflag:$0x1] =	stream.linear.gather [hbm4b:s30+s29], $0x400, $0x38;
	[tilespmem:$0x1FC88] =	vst v63  }
0x4b: {  	s30 =	rddreg [dreg:$0x9]  }
0x4c: {  	[tilespmem:s13], [sflag:$0x2] =	stream.linear.gather [hbm4b:s30+s29], $0x400, $0x38;
	[tilespmem:$0x1FC88] =	vst v63  }
0x4d: {  	s31 =	rddreg [dreg:$0xa]  }
0x4e: {  	[tilespmem:s14], [sflag:$0x2] =	stream.linear.gather [hbm4b:s31+s29], $0x400, $0x38;
	[tilespmem:$0x1FC88] =	vst v63  }
0x4f: {  	s4 =	rddreg [dreg:$0xb]  }
0x50: {  	[tilespmem:s15], [sflag:$0x2] =	stream.linear.gather [hbm4b:s4+s29], $0x400, $0x38;
	[tilespmem:$0x1FC88] =	vst v63  }
0x51: {  	_ = 	snop  }
0x52: {  	[spmem:s12] =	stream.linear.scatter [tilespmem:s16], [sflag:$0x3], $0x1680, $0x38;
	[tilespmem:$0x1FC88] =	vst v63  }
0x53: {  	s30 =	rddreg [dreg:$0xc]  }
0x54: {  	[spmem:s30] =	stream.linear.scatter [tilespmem:s16], [sflag:$0x3], $0x1680, $0x38;
	[tilespmem:$0x1FC88] =	vst v63  }
0x55: {  	s31 =	rddreg [dreg:$0xd]  }
0x56: {  	[spmem:s31] =	stream.linear.scatter [tilespmem:s16], [sflag:$0x3], $0x1680, $0x38;
	[tilespmem:$0x1FC88] =	vst v63  }
0x57: {  	s4 =	rddreg [dreg:$0xe]  }
0x58: {  	[spmem:s4] =	stream.linear.scatter [tilespmem:s16], [sflag:$0x3], $0x1680, $0x38;
	[tilespmem:$0x1FC88] =	vst v63  }
0x59: {  	s30 =	rddreg [dreg:$0xf]  }
0x5a: {  	[spmem:s30] =	stream.linear.scatter [tilespmem:s16], [sflag:$0x3], $0x1680, $0x38;
	[tilespmem:$0x1FC88] =	vst v63  }
0x5b: {  	s31 =	rddreg [dreg:$0x10]  }
0x5c: {  	[spmem:s31] =	stream.linear.scatter [tilespmem:s16], [sflag:$0x3], $0x1680, $0x38;
	[tilespmem:$0x1FC88] =	vst v63  }
0x5d: {  	s4 =	rddreg [dreg:$0x11]  }
0x5e: {  	[spmem:s4] =	stream.linear.scatter [tilespmem:s16], [sflag:$0x3], $0x1680, $0x38;
	[tilespmem:$0x1FC88] =	vst v63  }
0x5f: {  	s30 =	rddreg [dreg:$0x12]  }
0x60: {  	[spmem:s30] =	stream.linear.scatter [tilespmem:s16], [sflag:$0x3], $0x1680, $0x38;
	[tilespmem:$0x1FC88] =	vst v63  }
0x61: {  	s31 =	rddreg [dreg:$0x16]  }
0x62: {  	[spmem:s31] =	stream.linear.scatter [tilespmem:s16], [sflag:$0x3], $0x1680, $0x38;
	[tilespmem:$0x1FC88] =	vst v63  }
0x63: {  	s4 =	rddreg [dreg:$0x17]  }
0x64: {  	[spmem:s4] =	stream.linear.scatter [tilespmem:s16], [sflag:$0x3], $0x1680, $0x38;
	[tilespmem:$0x1FC88] =	vst v63  }
0x65: {  	s30 =	rddreg [dreg:$0x18]  }
0x66: {  	[spmem:s30] =	stream.linear.scatter [tilespmem:s16], [sflag:$0x3], $0x1680, $0x38;
	[tilespmem:$0x1FC88] =	vst v63  }
0x67: {  	s31 =	rddreg [dreg:$0x19]  }
0x68: {  	[spmem:s31] =	stream.linear.scatter [tilespmem:s16], [sflag:$0x3], $0x1680, $0x38;
	[tilespmem:$0x1FC88] =	vst v63  }
0x69: {  	s4 =	rddreg [dreg:$0x1a]  }
0x6a: {  	[spmem:s4] =	stream.linear.scatter [tilespmem:s16], [sflag:$0x3], $0x1680, $0x38;
	[tilespmem:$0x1FC88] =	vst v63  }
0x6b: {  	s30 =	rddreg [dreg:$0x1b]  }
0x6c: {  	[spmem:s30] =	stream.linear.scatter [tilespmem:s16], [sflag:$0x3], $0x1680, $0x38;
	[tilespmem:$0x1FC88] =	vst v63  }
0x6d: {  	s31 =	rddreg [dreg:$0x1c]  }
0x6e: {  	[spmem:s31] =	stream.linear.scatter [tilespmem:s16], [sflag:$0x3], $0x1680, $0x38;
	[tilespmem:$0x1FC88] =	vst v63  }
0x6f: {  	_ = 	snop  }
0x70: {  	[spmem:s7] =	stream.linear.scatter [tilespmem:s16], [sflag:$0x3], $0x1680, $0x38;
	[tilespmem:$0x1FC88] =	vst v63  }
0x71: {  	_ = 	snop  }
0x72: {  	[spmem:s8] =	stream.linear.scatter [tilespmem:s16], [sflag:$0x3], $0x1680, $0x38;
	[tilespmem:$0x1FC88] =	vst v63  }
0x73: {  	_ = 	snop  }
0x74: {  	[spmem:s9] =	stream.linear.scatter [tilespmem:s16], [sflag:$0x3], $0x1680, $0x38;
	[tilespmem:$0x1FC88] =	vst v63  }
0x75: {  	_ = 	snop  }
0x76: {  	[spmem:s10] =	stream.linear.scatter [tilespmem:s16], [sflag:$0x3], $0x1680, $0x38;
	[tilespmem:$0x1FC88] =	vst v63  }
0x77: {  	_ = 	snop  }
0x78: {  	[spmem:s11] =	stream.linear.scatter [tilespmem:s16], [sflag:$0x3], $0x1680, $0x38;
	[tilespmem:$0x1FC88] =	vst v63  }
0x79: {  	_ =	swait.ge [sflag:s17], $0x1680  }
0x7a: {  	[sflag:s17] =	ssyncset.done $0x0  }
0x7b: {  	[sflag:s17] =	ssyncadd.s32 $0xFFFFE980  }
0x7c: {  	_ =	swait.ge [sflag:s17], $0x1680  }
0x7d: {  	[sflag:s17] =	ssyncset.done $0x0  }
0x7e: {  	[sflag:s17] =	ssyncadd.s32 $0xFFFFE980  }
0x7f: {  	_ =	swait.ge [sflag:s17], $0x1680  }
0x80: {  	[sflag:s17] =	ssyncset.done $0x0  }
0x81: {  	[sflag:s17] =	ssyncadd.s32 $0xFFFFE980  }
0x82: {  	_ =	swait.ge [sflag:s17], $0x1680  }
0x83: {  	[sflag:s17] =	ssyncset.done $0x0  }
0x84: {  	[sflag:s17] =	ssyncadd.s32 $0xFFFFE980  }
0x85: {  	_ =	swait.ge [sflag:s17], $0x1680  }
0x86: {  	[sflag:s17] =	ssyncset.done $0x0  }
0x87: {  	[sflag:s17] =	ssyncadd.s32 $0xFFFFE980  }
0x88: {  	_ =	swait.ge [sflag:s17], $0x1680  }
0x89: {  	[sflag:s17] =	ssyncset.done $0x0  }
0x8a: {  	[sflag:s17] =	ssyncadd.s32 $0xFFFFE980  }
0x8b: {  	_ =	swait.ge [sflag:s17], $0x1680  }
0x8c: {  	[sflag:s17] =	ssyncset.done $0x0  }
0x8d: {  	[sflag:s17] =	ssyncadd.s32 $0xFFFFE980  }
0x8e: {  	_ =	swait.ge [sflag:s17], $0x1680  }
0x8f: {  	[sflag:s17] =	ssyncset.done $0x0  }
0x90: {  	[sflag:s17] =	ssyncadd.s32 $0xFFFFE980  }
0x91: {  	_ =	swait.ge [sflag:s17], $0x1680  }
0x92: {  	[sflag:s17] =	ssyncset.done $0x0  }
0x93: {  	[sflag:s17] =	ssyncadd.s32 $0xFFFFE980  }
0x94: {  	_ =	swait.ge [sflag:s17], $0x1680  }
0x95: {  	[sflag:s17] =	ssyncset.done $0x0  }
0x96: {  	[sflag:s17] =	ssyncadd.s32 $0xFFFFE980  }
0x97: {  	_ =	swait.ge [sflag:s17], $0x1680  }
0x98: {  	[sflag:s17] =	ssyncset.done $0x0  }
0x99: {  	[sflag:s17] =	ssyncadd.s32 $0xFFFFE980  }
0x9a: {  	_ =	swait.ge [sflag:s17], $0x1680  }
0x9b: {  	[sflag:s17] =	ssyncset.done $0x0  }
0x9c: {  	[sflag:s17] =	ssyncadd.s32 $0xFFFFE980  }
0x9d: {  	_ =	swait.ge [sflag:s17], $0x1680  }
0x9e: {  	[sflag:s17] =	ssyncset.done $0x0  }
0x9f: {  	[sflag:s17] =	ssyncadd.s32 $0xFFFFE980  }
0xa0: {  	_ =	swait.ge [sflag:s17], $0x1680  }
0xa1: {  	[sflag:s17] =	ssyncset.done $0x0  }
0xa2: {  	[sflag:s17] =	ssyncadd.s32 $0xFFFFE980  }
0xa3: {  	_ =	swait.ge [sflag:s17], $0x1680  }
0xa4: {  	[sflag:s17] =	ssyncset.done $0x0  }
0xa5: {  	[sflag:s17] =	ssyncadd.s32 $0xFFFFE980  }
0xa6: {  	_ =	swait.ge [sflag:s17], $0x1680  }
0xa7: {  	[sflag:s17] =	ssyncset.done $0x0  }
0xa8: {  	[sflag:s17] =	ssyncadd.s32 $0xFFFFE980  }
0xa9: {  	_ =	swait.ge [sflag:s17], $0x1680  }
0xaa: {  	[sflag:s17] =	ssyncset.done $0x0  }
0xab: {  	[sflag:s17] =	ssyncadd.s32 $0xFFFFE980  }
0xac: {  	_ =	swait.ge [sflag:s17], $0x1680  }
0xad: {  	[sflag:s17] =	ssyncset.done $0x0  }
0xae: {  	[sflag:s17] =	ssyncadd.s32 $0xFFFFE980  }
0xaf: {  	_ =	swait.ge [sflag:s17], $0x1680  }
0xb0: {  	[sflag:s17] =	ssyncset.done $0x0  }
0xb1: {  	[sflag:s17] =	ssyncadd.s32 $0xFFFFE980  }
0xb2: {  	_ =	swait.ge [sflag:s17], $0x1680  }
0xb3: {  	[sflag:s17] =	ssyncset.done $0x0  }
0xb4: {  	[sflag:s17] =	ssyncadd.s32 $0xFFFFE980  }
0xb5: {  	[bflag:$0x0] =	sbarrier.arrive $0xFFFF  }
.LBB2_6:
0xb6: {  	_ =	swait.ge [sflag:s18], $0x400  }
0xb7: {  	[sflag:s18] =	ssyncset.done $0x0  }
0xb8: {  	[sflag:s18] =	ssyncadd.s32 $0xFFFFFC00  }
0xb9: {  	_ =	swait.ge [sflag:s18], $0x400  }
0xba: {  	[sflag:s18] =	ssyncset.done $0x0  }
0xbb: {  	[sflag:s18] =	ssyncadd.s32 $0xFFFFFC00  }
0xbc: {  	_ =	swait.ge [sflag:s18], $0x400  }
0xbd: {  	p1 =	seq.s32 s29, $0x0;
	[sflag:s18] =	ssyncset.done $0x0  }
0xbe: {  	s4 =	simm.s32 @!p1 $0x3;
	[sflag:s18] =	ssyncadd.s32 $0xFFFFFC00  }
0xbf: {  	_ =	swait.ge @!p1 [sflag:s4], $0x400  }
0xc0: {  	[sflag:s4] =	ssyncset.done @!p1 $0x0  }
0xc1: {  	s30 =	simm.s32 $0x0;
	[sflag:s4] =	ssyncadd.s32 @!p1 $0xFFFFFC00  }
0xc2: {  	v2 =	vld [tilespmem:s30+$0x1C278]  }
0xc3: {  	v3 =	vld [tilespmem:s30+$0x1CA78]  }
0xc4: {  	v4 =	vld [tilespmem:s30+$0x1C678]  }
0xc5: {  	v5 =	vld [tilespmem:s30+$0x1C208]  }
0xc6: {  	v6 =	vld [tilespmem:s30+$0x1C218]  }
0xc7: {  	v7 =	vld [tilespmem:s30+$0x1C228]  }
0xc8: {  	v8 =	vld [tilespmem:s30+$0x1C238]  }
0xc9: {  	v9 =	vld [tilespmem:s30+$0x1C248]  }
0xca: {  	v10 =	vld [tilespmem:s30+$0x1C258]  }
0xcb: {  	v11 =	vld [tilespmem:s30+$0x1C268]  }
0xcc: {  	v12 =	vld [tilespmem:s30+$0x1CA08]  }
0xcd: {  	v13 =	vld [tilespmem:s30+$0x1CA18]  }
0xce: {  	v15 =	vld [tilespmem:s30+$0x1CA28]  }
0xcf: {  	v19 =	vld [tilespmem:s30+$0x1CA48]  }
0xd0: {  	v20 =	vld [tilespmem:s30+$0x1CA58]  }
0xd1: {  	v21 =	vld [tilespmem:s30+$0x1CA68]  }
0xd2: {  	v25 =	vld [tilespmem:s30+$0x1C618]  }
0xd3: {  	v22 =	vld [tilespmem:s30+$0x1C608];
	v2 =	vmul.u32 $0x2D0, v2;
	v3 =	vmul.u32 $0xE1000, v3;
	v23 =	vmul.u32 $0x2D0, v5  }
0xd4: {  	v18 =	vld [tilespmem:s30+$0x1CA38];
	v24 =	vmul.u32 $0x2D0, v6;
	v6 =	vmul.u32 $0x2D0, v7;
	v5 =	vmul.u32 $0x2D0, v8  }
0xd5: {  	v17 =	vld [tilespmem:s30+$0x1C628];
	v26 =	vmul.u32 $0xE1000, v12;
	v16 =	vmul.u32 $0xE1000, v13;
	v8 =	vmul.u32 $0xE1000, v20  }
0xd6: {  	v14 =	vld [tilespmem:s30+$0x1C638];
	v7 =	vmul.u32 $0xE1000, v21;
	v2 =	vadd.s32 v2, v4;
	v4 =	vmul.u32 $0x2D0, v9  }
0xd7: {  	v13 =	vld [tilespmem:s30+$0x1C648];
	v9 =	vmul.u32 $0xE1000, v19;
	v19 =	vadd.s32 v24, v25;
	v2 =	vadd.s32 v3, v2  }
0xd8: {  	v12 =	vld [tilespmem:s30+$0x1C658];
	[tilespmem:s30+$0x1DA78] =	vst v2;
	v2 =	vmul.u32 $0x2D0, v11;
	v11 =	vmul.u32 $0xE1000, v15;
	v15 =	vadd.s32 v23, v22  }
0xd9: {  	s31 =	simm.s32 $0x80;
	s4 =	simm.s32 $0x400;
	v3 =	vmul.u32 $0x2D0, v10;
	v10 =	vmul.u32 $0xE1000, v18;
	v18 =	vadd.s32 v26, v15;
	v15 =	vld [tilespmem:s30+$0x1C668]  }
.LBB2_7:
0xda: {  	p2 =	sne.s32 s4, $0xE00;
	v20 =	vld [tilespmem:s31+$0x1C278];
	[tilespmem:s30+$0x1DA08] =	vst v18;
	v16 =	vadd.s32 v16, v19;
	v6 =	vadd.s32 v6, v17  }
0xdb: {  	v17 =	vld [tilespmem:s31+$0x1CA78];
	[tilespmem:s30+$0x1DA18] =	vst v16;
	v6 =	vadd.s32 v11, v6;
	v5 =	vadd.s32 v5, v14  }
0xdc: {  	v11 =	vld [tilespmem:s31+$0x1C678];
	[tilespmem:s30+$0x1DA28] =	vst v6;
	v5 =	vadd.s32 v10, v5;
	v4 =	vadd.s32 v4, v13  }
0xdd: {  	v6 =	vld [tilespmem:s31+$0x1C208];
	[tilespmem:s30+$0x1DA38] =	vst v5;
	v4 =	vadd.s32 v9, v4;
	v3 =	vadd.s32 v3, v12  }
0xde: {  	v5 =	vld [tilespmem:s31+$0x1C218];
	[tilespmem:s30+$0x1DA48] =	vst v4;
	v3 =	vadd.s32 v8, v3;
	v2 =	vadd.s32 v2, v15  }
0xdf: {  	v4 =	vld [tilespmem:s31+$0x1C228];
	v8 =	vmul.u32 $0x2D0, v20;
	[tilespmem:s30+$0x1DA58] =	vst v3;
	v2 =	vadd.s32 v7, v2  }
0xe0: {  	v3 =	vld [tilespmem:s31+$0x1C238];
	v7 =	vmul.u32 $0xE1000, v17;
	[tilespmem:s30+$0x1DA68] =	vst v2;
	s30 =	smov.u32 s31  }
0xe1: {  	v2 =	vld [tilespmem:s30+$0x1C248];
	v8 =	vadd.s32 v8, v11  }
0xe2: {  	v12 =	vmul.u32 $0x2D0, v6;
	v9 =	vld [tilespmem:s30+$0x1C258];
	v6 =	vadd.s32 v7, v8  }
0xe3: {  	v15 =	vmul.u32 $0x2D0, v5;
	v7 =	vld [tilespmem:s30+$0x1C268];
	[tilespmem:s30+$0x1DA78] =	vst v6  }
0xe4: {  	v8 =	vld [tilespmem:s30+$0x1CA08];
	v6 =	vmul.u32 $0x2D0, v4  }
0xe5: {  	v10 =	vld [tilespmem:s30+$0x1CA18];
	v5 =	vmul.u32 $0x2D0, v3  }
0xe6: {  	v11 =	vld [tilespmem:s30+$0x1CA28];
	v4 =	vmul.u32 $0x2D0, v2  }
0xe7: {  	v13 =	vld [tilespmem:s30+$0x1CA38];
	v3 =	vmul.u32 $0x2D0, v9  }
0xe8: {  	v9 =	vld [tilespmem:s30+$0x1CA48];
	v2 =	vmul.u32 $0x2D0, v7  }
0xe9: {  	v18 =	vmul.u32 $0xE1000, v8;
	v7 =	vld [tilespmem:s30+$0x1CA58]  }
0xea: {  	v16 =	vmul.u32 $0xE1000, v10;
	v19 =	vld [tilespmem:s30+$0x1CA68]  }
0xeb: {  	v20 =	vld [tilespmem:s30+$0x1C608];
	v11 =	vmul.u32 $0xE1000, v11  }
0xec: {  	v21 =	vld [tilespmem:s30+$0x1C618];
	v10 =	vmul.u32 $0xE1000, v13  }
.Ltmp4:
0xed: {  	v17 =	vld [tilespmem:s30+$0x1C628];
	v9 =	vmul.u32 $0xE1000, v9;
	(pc) =	sbr.rel @p2 .LBB2_7-.Ltmp4, $4  }
0xee: {  	v14 =	vld [tilespmem:s30+$0x1C638];
	v8 =	vmul.u32 $0xE1000, v7  }
0xef: {  	v13 =	vld [tilespmem:s30+$0x1C648];
	v7 =	vmul.u32 $0xE1000, v19  }
0xf0: {  	v19 =	vadd.s32 v12, v20;
	v12 =	vld [tilespmem:s30+$0x1C658]  }
0xf1: {  	s31 =	sshra.s32 s4, $0x2;
	s4 =	sadd.s32 $0x200, s4;
	v18 =	vadd.s32 v18, v19;
	v19 =	vadd.s32 v15, v21;
	v15 =	vld [tilespmem:s30+$0x1C668]  }
0xf2: {  	v20 =	vld [tilespmem:s31+$0x1C278];
	[tilespmem:s30+$0x1DA08] =	vst v18;
	v16 =	vadd.s32 v16, v19;
	v6 =	vadd.s32 v6, v17  }
0xf3: {  	v18 =	vld [tilespmem:s31+$0x1CA78];
	[tilespmem:s30+$0x1DA18] =	vst v16;
	v6 =	vadd.s32 v11, v6;
	v5 =	vadd.s32 v5, v14  }
0xf4: {  	v11 =	vld [tilespmem:s31+$0x1C678];
	[tilespmem:s30+$0x1DA28] =	vst v6;
	v5 =	vadd.s32 v10, v5;
	v4 =	vadd.s32 v4, v13  }
0xf5: {  	v6 =	vld [tilespmem:s31+$0x1C208];
	[tilespmem:s30+$0x1DA38] =	vst v5;
	v4 =	vadd.s32 v9, v4;
	v3 =	vadd.s32 v3, v12  }
0xf6: {  	v5 =	vld [tilespmem:s31+$0x1C218];
	[tilespmem:s30+$0x1DA48] =	vst v4;
	v3 =	vadd.s32 v8, v3;
	v2 =	vadd.s32 v2, v15  }
0xf7: {  	v4 =	vld [tilespmem:s31+$0x1C228];
	[tilespmem:s30+$0x1DA58] =	vst v3;
	v2 =	vadd.s32 v7, v2  }
0xf8: {  	v3 =	vld [tilespmem:s31+$0x1C238];
	[tilespmem:s30+$0x1DA68] =	vst v2  }
0xf9: {  	v8 =	vld [tilespmem:s31+$0x1C248]  }
0xfa: {  	v7 =	vmul.u32 $0x2D0, v20;
	v9 =	vld [tilespmem:s31+$0x1C258]  }
0xfb: {  	v10 =	vld [tilespmem:s31+$0x1CA18]  }
0xfc: {  	v7 =	vadd.s32 v7, v11;
	v11 =	vld [tilespmem:s31+$0x1CA28]  }
0xfd: {  	v12 =	vld [tilespmem:s31+$0x1CA38]  }
0xfe: {  	v13 =	vld [tilespmem:s31+$0x1CA48]  }
0xff: {  	v2 =	vmul.u32 $0xE1000, v18;
	v14 =	vld [tilespmem:s31+$0x1CA58]  }
0x100: {  	v15 =	vld [tilespmem:s31+$0x1CA68]  }
0x101: {  	v16 =	vld [tilespmem:s31+$0x1C608];
	v2 =	vadd.s32 v2, v7  }
0x102: {  	[tilespmem:s31+$0x1DA78] =	vst v2;
	v2 =	vld [tilespmem:s31+$0x1CA08]  }
0x103: {  	v17 =	vld [tilespmem:s31+$0x1C618]  }
0x104: {  	v18 =	vld [tilespmem:s31+$0x1C628]  }
0x105: {  	v7 =	vld [tilespmem:s31+$0x1C268];
	v6 =	vmul.u32 $0x2D0, v6  }
0x106: {  	v19 =	vld [tilespmem:s31+$0x1C638];
	v5 =	vmul.u32 $0x2D0, v5;
	v4 =	vmul.u32 $0x2D0, v4;
	v3 =	vmul.u32 $0x2D0, v3  }
0x107: {  	v20 =	vld [tilespmem:s31+$0x1C648];
	v8 =	vmul.u32 $0x2D0, v8;
	v9 =	vmul.u32 $0x2D0, v9;
	v2 =	vmul.u32 $0xE1000, v2  }
0x108: {  	v10 =	vmul.u32 $0xE1000, v10;
	v6 =	vadd.s32 v6, v16;
	v16 =	vld [tilespmem:s31+$0x1C658];
	v11 =	vmul.u32 $0xE1000, v11  }
0x109: {  	v5 =	vadd.s32 v5, v17;
	v12 =	vmul.u32 $0xE1000, v12;
	v2 =	vadd.s32 v2, v6;
	v6 =	vld [tilespmem:s31+$0x1C668]  }
0x10a: {  	v4 =	vadd.s32 v4, v18;
	v7 =	vmul.u32 $0x2D0, v7;
	[tilespmem:s31+$0x1DA08] =	vst v2;
	v2 =	vadd.s32 v10, v5  }
0x10b: {  	v3 =	vadd.s32 v3, v19;
	v5 =	vmul.u32 $0xE1000, v13;
	[tilespmem:s31+$0x1DA18] =	vst v2;
	v2 =	vadd.s32 v11, v4  }
0x10c: {  	v4 =	vmul.u32 $0xE1000, v14;
	[tilespmem:s31+$0x1DA28] =	vst v2;
	v2 =	vadd.s32 v12, v3;
	v3 =	vadd.s32 v8, v20  }
0x10d: {  	p2 =	seq.s32 s29, $0x1F;
	v8 =	vmul.u32 $0xE1000, v15;
	[tilespmem:s31+$0x1DA38] =	vst v2;
	v2 =	vadd.s32 v5, v3;
	v3 =	vadd.s32 v9, v16  }
0x10e: {  	s4 =	sshll.u32 @!p2 s29, $0xB;
	[tilespmem:s31+$0x1DA48] =	vst v2;
	v2 =	vadd.s32 v4, v3;
	v3 =	vadd.s32 v7, v6  }
0x10f: {  	s4 =	sadd.s32 @!p2 s4, s21;
	[tilespmem:s31+$0x1DA58] =	vst v2;
	v2 =	vadd.s32 v8, v3  }
0x110: {  	s4 =	sshrl.u32 @!p2 s4, $0x3;
	[tilespmem:s31+$0x1DA68] =	vst v2  }
0x111: {  	[spmem:s5] =	stream.indirect.scatter [tilespmem:s23], [sflag:$0x3], $0x1, s20, s19, $0xb8;
	[tilespmem:$0x1FC88] =	vst v63  }
0x112: {  	s0 =	simm.s32 @!p2 $0x1C208;
	s30 =	sadd.s32 @!p2 s1, s4;
	s31 =	simm.s32 @!p2 $0x0  }
0x113: {  	[tilespmem:s0], [sflag:$0x1] =	stream.linear.gather @!p2 [hbm4b:s30+s31], $0x400, $0x38;
	[tilespmem:$0x1FC88] =	vst v63  }
0x114: {  	s0 =	sadd.s32 @!p2 s2, s4;
	s30 =	simm.s32 @!p2 $0x1C608  }
0x115: {  	[tilespmem:s30], [sflag:$0x1] =	stream.linear.gather @!p2 [hbm4b:s0+s31], $0x400, $0x38;
	[tilespmem:$0x1FC88] =	vst v63  }
0x116: {  	s0 =	sadd.s32 @!p2 s3, s4;
	s4 =	simm.s32 @!p2 $0x1CA08  }
0x117: {  	[tilespmem:s4], [sflag:$0x1] =	stream.linear.gather @!p2 [hbm4b:s0+s31], $0x400, $0x38;
	[tilespmem:$0x1FC88] =	vst v63  }
0x118: {  	_ =	swait.ge [sflag:s24], $0x400  }
0x119: {  	[sflag:s24] =	ssyncset.done $0x0  }
0x11a: {  	[sflag:s24] =	ssyncadd.s32 $0xFFFFFC00  }
0x11b: {  	_ =	swait.ge [sflag:s24], $0x400  }
0x11c: {  	[sflag:s24] =	ssyncset.done $0x0  }
0x11d: {  	[sflag:s24] =	ssyncadd.s32 $0xFFFFFC00  }
0x11e: {  	_ =	swait.ge [sflag:s24], $0x400  }
0x11f: {  	[sflag:s24] =	ssyncset.done $0x0  }
0x120: {  	s0 =	simm.s32 @!p1 $0x4;
	[sflag:s24] =	ssyncadd.s32 $0xFFFFFC00  }
0x121: {  	_ =	swait.ge @!p1 [sflag:s0], $0x400  }
0x122: {  	[sflag:s0] =	ssyncset.done @!p1 $0x0  }
0x123: {  	s30 =	simm.s32 $0x0;
	[sflag:s0] =	ssyncadd.s32 @!p1 $0xFFFFFC00  }
0x124: {  	v2 =	vld [tilespmem:s30+$0x1CE78]  }
0x125: {  	v3 =	vld [tilespmem:s30+$0x1D678]  }
0x126: {  	v4 =	vld [tilespmem:s30+$0x1D278]  }
0x127: {  	v5 =	vld [tilespmem:s30+$0x1CE08]  }
0x128: {  	v6 =	vld [tilespmem:s30+$0x1CE18]  }
0x129: {  	v7 =	vld [tilespmem:s30+$0x1CE28]  }
0x12a: {  	v8 =	vld [tilespmem:s30+$0x1CE38]  }
0x12b: {  	v9 =	vld [tilespmem:s30+$0x1CE48]  }
0x12c: {  	v10 =	vld [tilespmem:s30+$0x1CE58]  }
0x12d: {  	v11 =	vld [tilespmem:s30+$0x1CE68]  }
0x12e: {  	v12 =	vld [tilespmem:s30+$0x1D608]  }
0x12f: {  	v13 =	vld [tilespmem:s30+$0x1D618]  }
0x130: {  	v15 =	vld [tilespmem:s30+$0x1D628]  }
0x131: {  	v19 =	vld [tilespmem:s30+$0x1D648]  }
0x132: {  	v20 =	vld [tilespmem:s30+$0x1D658]  }
0x133: {  	v21 =	vld [tilespmem:s30+$0x1D668]  }
0x134: {  	v25 =	vld [tilespmem:s30+$0x1D218]  }
0x135: {  	v22 =	vld [tilespmem:s30+$0x1D208];
	v2 =	vmul.u32 $0x2D0, v2;
	v3 =	vmul.u32 $0xE1000, v3;
	v23 =	vmul.u32 $0x2D0, v5  }
0x136: {  	v18 =	vld [tilespmem:s30+$0x1D638];
	v24 =	vmul.u32 $0x2D0, v6;
	v6 =	vmul.u32 $0x2D0, v7;
	v5 =	vmul.u32 $0x2D0, v8  }
0x137: {  	v17 =	vld [tilespmem:s30+$0x1D228];
	v26 =	vmul.u32 $0xE1000, v12;
	v16 =	vmul.u32 $0xE1000, v13;
	v8 =	vmul.u32 $0xE1000, v20  }
0x138: {  	v14 =	vld [tilespmem:s30+$0x1D238];
	v7 =	vmul.u32 $0xE1000, v21;
	v2 =	vadd.s32 v2, v4;
	v4 =	vmul.u32 $0x2D0, v9  }
0x139: {  	v13 =	vld [tilespmem:s30+$0x1D248];
	v9 =	vmul.u32 $0xE1000, v19;
	v19 =	vadd.s32 v24, v25;
	v2 =	vadd.s32 v3, v2  }
0x13a: {  	v12 =	vld [tilespmem:s30+$0x1D258];
	[tilespmem:s30+$0x1DE78] =	vst v2;
	v2 =	vmul.u32 $0x2D0, v11;
	v11 =	vmul.u32 $0xE1000, v15;
	v15 =	vadd.s32 v23, v22  }
0x13b: {  	s31 =	simm.s32 $0x80;
	s4 =	simm.s32 $0x400;
	v3 =	vmul.u32 $0x2D0, v10;
	v10 =	vmul.u32 $0xE1000, v18;
	v18 =	vadd.s32 v26, v15;
	v15 =	vld [tilespmem:s30+$0x1D268]  }
.LBB2_9:
0x13c: {  	p1 =	sne.s32 s4, $0xE00;
	v20 =	vld [tilespmem:s31+$0x1CE78];
	[tilespmem:s30+$0x1DE08] =	vst v18;
	v16 =	vadd.s32 v16, v19;
	v6 =	vadd.s32 v6, v17  }
0x13d: {  	v17 =	vld [tilespmem:s31+$0x1D678];
	[tilespmem:s30+$0x1DE18] =	vst v16;
	v6 =	vadd.s32 v11, v6;
	v5 =	vadd.s32 v5, v14  }
0x13e: {  	v11 =	vld [tilespmem:s31+$0x1D278];
	[tilespmem:s30+$0x1DE28] =	vst v6;
	v5 =	vadd.s32 v10, v5;
	v4 =	vadd.s32 v4, v13  }
0x13f: {  	v6 =	vld [tilespmem:s31+$0x1CE08];
	[tilespmem:s30+$0x1DE38] =	vst v5;
	v4 =	vadd.s32 v9, v4;
	v3 =	vadd.s32 v3, v12  }
0x140: {  	v5 =	vld [tilespmem:s31+$0x1CE18];
	[tilespmem:s30+$0x1DE48] =	vst v4;
	v3 =	vadd.s32 v8, v3;
	v2 =	vadd.s32 v2, v15  }
0x141: {  	v4 =	vld [tilespmem:s31+$0x1CE28];
	v8 =	vmul.u32 $0x2D0, v20;
	[tilespmem:s30+$0x1DE58] =	vst v3;
	v2 =	vadd.s32 v7, v2  }
0x142: {  	v3 =	vld [tilespmem:s31+$0x1CE38];
	v7 =	vmul.u32 $0xE1000, v17;
	[tilespmem:s30+$0x1DE68] =	vst v2;
	s30 =	smov.u32 s31  }
0x143: {  	v2 =	vld [tilespmem:s30+$0x1CE48];
	v8 =	vadd.s32 v8, v11  }
0x144: {  	v12 =	vmul.u32 $0x2D0, v6;
	v9 =	vld [tilespmem:s30+$0x1CE58];
	v6 =	vadd.s32 v7, v8  }
0x145: {  	v15 =	vmul.u32 $0x2D0, v5;
	v7 =	vld [tilespmem:s30+$0x1CE68];
	[tilespmem:s30+$0x1DE78] =	vst v6  }
0x146: {  	v8 =	vld [tilespmem:s30+$0x1D608];
	v6 =	vmul.u32 $0x2D0, v4  }
0x147: {  	v10 =	vld [tilespmem:s30+$0x1D618];
	v5 =	vmul.u32 $0x2D0, v3  }
0x148: {  	v11 =	vld [tilespmem:s30+$0x1D628];
	v4 =	vmul.u32 $0x2D0, v2  }
0x149: {  	v13 =	vld [tilespmem:s30+$0x1D638];
	v3 =	vmul.u32 $0x2D0, v9  }
0x14a: {  	v9 =	vld [tilespmem:s30+$0x1D648];
	v2 =	vmul.u32 $0x2D0, v7  }
0x14b: {  	v18 =	vmul.u32 $0xE1000, v8;
	v7 =	vld [tilespmem:s30+$0x1D658]  }
0x14c: {  	v16 =	vmul.u32 $0xE1000, v10;
	v19 =	vld [tilespmem:s30+$0x1D668]  }
0x14d: {  	v20 =	vld [tilespmem:s30+$0x1D208];
	v11 =	vmul.u32 $0xE1000, v11  }
0x14e: {  	v21 =	vld [tilespmem:s30+$0x1D218];
	v10 =	vmul.u32 $0xE1000, v13  }
.Ltmp5:
0x14f: {  	v17 =	vld [tilespmem:s30+$0x1D228];
	v9 =	vmul.u32 $0xE1000, v9;
	(pc) =	sbr.rel @p1 .LBB2_9-.Ltmp5, $4  }
0x150: {  	v14 =	vld [tilespmem:s30+$0x1D238];
	v8 =	vmul.u32 $0xE1000, v7  }
0x151: {  	v13 =	vld [tilespmem:s30+$0x1D248];
	v7 =	vmul.u32 $0xE1000, v19  }
0x152: {  	v19 =	vadd.s32 v12, v20;
	v12 =	vld [tilespmem:s30+$0x1D258]  }
0x153: {  	s31 =	sshra.s32 s4, $0x2;
	s4 =	sadd.s32 $0x200, s4;
	v18 =	vadd.s32 v18, v19;
	v19 =	vadd.s32 v15, v21;
	v15 =	vld [tilespmem:s30+$0x1D268]  }
0x154: {  	v20 =	vld [tilespmem:s31+$0x1CE78];
	[tilespmem:s30+$0x1DE08] =	vst v18;
	v16 =	vadd.s32 v16, v19;
	v6 =	vadd.s32 v6, v17  }
0x155: {  	v18 =	vld [tilespmem:s31+$0x1D678];
	[tilespmem:s30+$0x1DE18] =	vst v16;
	v6 =	vadd.s32 v11, v6;
	v5 =	vadd.s32 v5, v14  }
0x156: {  	v44 =	vld [tilespmem:s31+$0x1D278];
	[tilespmem:s30+$0x1DE28] =	vst v6;
	v5 =	vadd.s32 v10, v5;
	v4 =	vadd.s32 v4, v13  }
0x157: {  	v6 =	vld [tilespmem:s31+$0x1CE08];
	[tilespmem:s30+$0x1DE38] =	vst v5;
	v4 =	vadd.s32 v9, v4;
	v3 =	vadd.s32 v3, v12  }
0x158: {  	v5 =	vld [tilespmem:s31+$0x1CE18];
	[tilespmem:s30+$0x1DE48] =	vst v4;
	v3 =	vadd.s32 v8, v3;
	v2 =	vadd.s32 v2, v15  }
0x159: {  	v4 =	vld [tilespmem:s31+$0x1CE28];
	[tilespmem:s30+$0x1DE58] =	vst v3;
	v2 =	vadd.s32 v7, v2  }
0x15a: {  	v3 =	vld [tilespmem:s31+$0x1CE38];
	[tilespmem:s30+$0x1DE68] =	vst v2  }
0x15b: {  	v46 =	vld [tilespmem:s31+$0x1CE48]  }
0x15c: {  	v47 =	vld [tilespmem:s31+$0x1CE58]  }
0x15d: {  	v48 =	vld [tilespmem:s31+$0x1CE68]  }
0x15e: {  	v49 =	vld [tilespmem:s31+$0x1D618]  }
0x15f: {  	v50 =	vld [tilespmem:s31+$0x1D628]  }
0x160: {  	v45 =	vmul.u32 $0x2D0, v20;
	v51 =	vld [tilespmem:s31+$0x1D638]  }
0x161: {  	v2 =	vmul.u32 $0xE1000, v18;
	v52 =	vld [tilespmem:s31+$0x1D648]  }
0x162: {  	v7 =	vadd.s32 v45, v44;
	v53 =	vld [tilespmem:s31+$0x1D658]  }
0x163: {  	v54 =	vld [tilespmem:s31+$0x1D668];
	v2 =	vadd.s32 v2, v7  }
0x164: {  	[tilespmem:s31+$0x1DE78] =	vst v2;
	v2 =	vld [tilespmem:s31+$0x1D608]  }
0x165: {  	v16 =	vld [tilespmem:s31+$0x1D208]  }
0x166: {  	v55 =	vld [tilespmem:s31+$0x1D218]  }
0x167: {  	v56 =	vld [tilespmem:s31+$0x1D228];
	v6 =	vmul.u32 $0x2D0, v6  }
0x168: {  	v57 =	vld [tilespmem:s31+$0x1D238];
	v5 =	vmul.u32 $0x2D0, v5;
	v4 =	vmul.u32 $0x2D0, v4;
	v3 =	vmul.u32 $0x2D0, v3  }
0x169: {  	v58 =	vld [tilespmem:s31+$0x1D248];
	v8 =	vmul.u32 $0x2D0, v46;
	v9 =	vmul.u32 $0x2D0, v47;
	v2 =	vmul.u32 $0xE1000, v2  }
0x16a: {  	v59 =	vld [tilespmem:s31+$0x1D258];
	v7 =	vmul.u32 $0x2D0, v48;
	v10 =	vmul.u32 $0xE1000, v49;
	v6 =	vadd.s32 v6, v16  }
0x16b: {  	v60 =	vld [tilespmem:s31+$0x1D268];
	v11 =	vmul.u32 $0xE1000, v50;
	v5 =	vadd.s32 v5, v55;
	v2 =	vadd.s32 v2, v6  }
0x16c: {  	v12 =	vmul.u32 $0xE1000, v51;
	v4 =	vadd.s32 v4, v56;
	[tilespmem:s31+$0x1DE08] =	vst v2;
	v2 =	vadd.s32 v10, v5  }
0x16d: {  	v61 =	vmul.u32 $0xE1000, v52;
	v3 =	vadd.s32 v3, v57;
	[tilespmem:s31+$0x1DE18] =	vst v2;
	v2 =	vadd.s32 v11, v4  }
0x16e: {  	v62 =	vmul.u32 $0xE1000, v53;
	[tilespmem:s31+$0x1DE28] =	vst v2;
	v2 =	vadd.s32 v12, v3;
	v3 =	vadd.s32 v8, v58  }
.Ltmp6:
0x16f: {  	v63 =	vmul.u32 $0xE1000, v54;
	[tilespmem:s31+$0x1DE38] =	vst v2;
	v2 =	vadd.s32 v61, v3;
	v3 =	vadd.s32 v9, v59;
	(pc) =	sbr.rel @p2 .LBB2_12-.Ltmp6, $4  }
0x170: {  	[tilespmem:s31+$0x1DE48] =	vst v2;
	v2 =	vadd.s32 v62, v3;
	v3 =	vadd.s32 v7, v60  }
0x171: {  	[tilespmem:s31+$0x1DE58] =	vst v2;
	v2 =	vadd.s32 v63, v3  }
0x172: {  	[tilespmem:s31+$0x1DE68] =	vst v2  }
0x173: {  	[spmem:s5] =	stream.indirect.scatter [tilespmem:s23], [sflag:$0x4], $0x1, s25, s19, $0xb8;
	[tilespmem:$0x1FC88] =	vst v63  }
0x174: {  	s0 =	sshll.u32 s29, $0xB  }
0x175: {  	s0 =	sadd.s32 s0, s22  }
0x176: {  	s0 =	sshrl.u32 s0, $0x3  }
0x177: {  	s4 =	sadd.s32 s1, s0  }
0x178: {  	[tilespmem:s13], [sflag:$0x2] =	stream.linear.gather [hbm4b:s4+s6], $0x400, $0x38;
	[tilespmem:$0x1FC88] =	vst v63  }
.Ltmp7:
0x179: {  	_ = 	snop;
	(pc) =	sbr.rel .LBB2_6-.Ltmp7, $4  }
0x17a: {  	s31 =	sadd.s32 s2, s0  }
0x17b: {  	[tilespmem:s14], [sflag:$0x2] =	stream.linear.gather [hbm4b:s31+s6], $0x400, $0x38;
	[tilespmem:$0x1FC88] =	vst v63  }
0x17c: {  	s29 =	sadd.s32 $0x1, s29;
	s0 =	sadd.s32 s3, s0  }
0x17d: {  	[tilespmem:s15], [sflag:$0x2] =	stream.linear.gather [hbm4b:s0+s6], $0x400, $0x38;
	[tilespmem:$0x1FC88] =	vst v63  }
.LBB2_13:
0x17e: {  	_ =	sfence.sel $0x180000  }
0x17f: {  	[bflag:$0x0] =	sbarrier.arrive $0xFFFF  }
0x180: {  	_ =	strace $0x90000047  }
0x181: {  	[bflag:$0x2] =	sbarrier.arrive $0xFFFF  }
0x182: {  	p0 =	sne.s32 s29, $0x0;
	s0 =	rddreg [dreg:$0x5]  }
0x183: {  	s0 =	sadd.s32 @!p0 $0x100000, s0  }
0x184: {  	[sflag:s0] =	ssyncadd.tile.s32 @!p0 $0x1;
	_ =	shalt  }
.Lfunc_end2:
_tile_overlayer_lowered:
.L_overlay_start_2:
0x185: {  	(tag) =	ssettag $0x2  }
0x186: {  	s0 =	rddreg [dreg:$0x0];
	s2 =	stileid.u32  }
0x187: {  	s1 =	rddreg [dreg:$0x1];
	p0 =	sne.s32 s2, $0x0  }
0x188: {  	s3 =	rddreg [dreg:$0x2];
	[bflag:$0x3] =	sbarrier.arrive $0xFFFF;
	s2 =	simm.s32 @!p0 $0x1C01  }
0x189: {  	[timem:s3], [sflag:s2] =	dma.local @!p0 [hbm:s0], s1  }
0x18a: {  	s0 =	simm.s32 @!p0 $0x1  }
0x18b: {  	_ =	swait.ge @!p0 [sflag:s0], s1  }
0x18c: {  	s1 =	ssub.s32 @!p0 $0x0, s1;
	[sflag:s0] =	ssyncset.done @!p0 $0x0  }
0x18d: {  	[sflag:s0] =	ssyncadd.s32 @!p0 s1  }
0x18e: {  	[bflag:$0x3] =	sbarrier.arrive $0xFFFF  }
0x18f: {  	_ =	shalt  }

</sc_bundles>
